<compile_context>
chip_gen: v7x
topology: tpu7x:2x2x1
jax: 0.10.2.dev20260603
libtpu: 0.0.44.dev20260713+nightly
codegen_flags: <defaults>
</compile_context>

<pallas_src>
import functools

import jax
import jax.numpy as jnp
from jax import lax
from jax.experimental import pallas as pl
from jax.experimental.pallas import tpu as pltpu
from jax.experimental.pallas import tpu_sc as plsc

_NC = 2
_NS = 16
_LANES = 128
_ZR = 128
_BN = 1024
_NRING = 4
_LAG = 1


def _sc_mesh():
  return plsc.VectorSubcoreMesh(core_axis_name="c", subcore_axis_name="s")


def _agg(table, srcs, dsts, *, n_pad, nch, acc_rows):
  stripe = acc_rows // _NS
  wr = stripe // 8

  nring = 5

  def body(table_hbm, srcs_hbm, dsts_hbm, zeros_hbm, out_hbm,
           srcidx, dstidx, rows, acc, gsem, ssem):
    c = lax.axis_index("c")
    s = lax.axis_index("s")
    base = s * stripe

    pltpu.sync_copy(dsts_hbm.at[s], dstidx)

    def slot(b):
      return rows.at[pl.ds(b * _LANES, _LANES)]

    def gstart(j, b):
      pltpu.async_copy(table_hbm.at[srcidx.at[j]], slot(b), gsem.at[b])

    def gwait(b):
      pltpu.make_async_copy(
          table_hbm.at[srcidx.at[0]], slot(b), gsem.at[b]).wait()

    def sstart(j, b):
      pltpu.async_copy(slot(b), acc.at[dstidx.at[j]], ssem.at[b], add=True)

    def swait(b):
      pltpu.make_async_copy(table_hbm.at[srcidx.at[0]], slot(b),
                            ssem.at[b]).wait()

    def qpass(q, carry):
      k = 2 * c + q

      pltpu.sync_copy(zeros_hbm, acc.at[pl.ds(base, stripe)])

      pltpu.sync_copy(srcs_hbm.at[k, s], srcidx)
      plsc.subcore_barrier()

      def prime(b, c2):
        gstart(b, b)
        return c2
      lax.fori_loop(0, nring, prime, 0)

      def step(j, c2):
        b = lax.rem(j, nring)
        gwait(b)
        sstart(j, b)
        bm = lax.rem(j - _LAG + nring, nring)

        @pl.when(j >= _LAG)
        def _():
          swait(bm)

          @pl.when(j + nring - _LAG < nch)
          def _():
            gstart(j + nring - _LAG, bm)
        return c2
      lax.fori_loop(0, nch, step, 0)

      def drain(i, c2):
        swait(lax.rem(nch - _LAG + i, nring))
        return c2
      lax.fori_loop(0, _LAG, drain, 0)

      plsc.subcore_barrier()

      def wcopy(j, c2):
        wbuf = rows.at[pl.ds(0, wr)]
        pltpu.sync_copy(acc.at[pl.ds(base + j * wr, wr)], wbuf)
        pltpu.sync_copy(wbuf, out_hbm.at[k, pl.ds(base + j * wr, wr)])
        return c2
      lax.fori_loop(0, 8, wcopy, 0)
      return carry

    lax.fori_loop(0, 2, qpass, 0)

  f = pl.kernel(
      body,
      out_type=jax.ShapeDtypeStruct((4, n_pad, 16), jnp.bfloat16),
      mesh=_sc_mesh(),
      scratch_types=[
          pltpu.VMEM((nch, _LANES), jnp.int32),
          pltpu.VMEM((nch, _LANES), jnp.int32),
          pltpu.VMEM((nring * _LANES, 16), jnp.bfloat16),
          pltpu.VMEM_SHARED((acc_rows, 16), jnp.bfloat16),
          pltpu.SemaphoreType.DMA((nring,)),
          pltpu.SemaphoreType.DMA((nring,)),
      ],
      compiler_params=pltpu.CompilerParams(use_tc_tiling_on_sc=False),
  )
  zeros = jnp.zeros((stripe, 16), jnp.bfloat16)
  return f(table, srcs, dsts, zeros)


def _counts(dsts32, *, n_pad, nch2):
  stripe = n_pad // _NS

  def body(dsts_hbm, out_hbm, cidx, ones_v, zbuf, acc):
    c = lax.axis_index("c")
    s = lax.axis_index("s")
    wid = c * _NS + s
    base = s * stripe

    for i in range(_LANES // 16):
      ones_v[pl.ds(i * 16, 16)] = jnp.ones((16,), jnp.float32)

    def zfill(i, carry):
      zbuf[pl.ds(i * 16, 16)] = jnp.zeros((16,), jnp.float32)
      return carry
    lax.fori_loop(0, stripe // 16, zfill, 0)
    pltpu.sync_copy(zbuf, acc.at[pl.ds(base, stripe)])

    pltpu.sync_copy(dsts_hbm.at[wid], cidx)
    plsc.subcore_barrier()

    def step(j, carry):
      pltpu.sync_copy(ones_v, acc.at[cidx.at[j]], add=True)
      return carry
    lax.fori_loop(0, nch2, step, 0)

    plsc.subcore_barrier()
    pltpu.sync_copy(acc.at[pl.ds(base, stripe)], zbuf)
    pltpu.sync_copy(zbuf, out_hbm.at[c, 0, pl.ds(base, stripe)])

  f = pl.kernel(
      body,
      out_type=jax.ShapeDtypeStruct((2, 1, n_pad), jnp.float32),
      mesh=_sc_mesh(),
      scratch_types=[
          pltpu.VMEM((nch2, _LANES), jnp.int32),
          pltpu.VMEM((_LANES,), jnp.float32),
          pltpu.VMEM((stripe,), jnp.float32),
          pltpu.VMEM_SHARED((n_pad,), jnp.float32),
      ],
      compiler_params=pltpu.CompilerParams(use_tc_tiling_on_sc=False),
  )
  return f(dsts32)


def _dense_in(xp, Win, bWin2, *, n_pad):
  nb = n_pad // _BN

  def body(x_ref, w_ref, b_ref, o_ref):
    o_ref[...] = lax.dot_general(
        x_ref[...], w_ref[...], (((1,), (1,)), ((), ())),
        preferred_element_type=jnp.float32) + b_ref[...]

  nfeat = xp.shape[1]
  hdim = Win.shape[0]
  return pl.pallas_call(
      body,
      grid=(nb,),
      in_specs=[
          pl.BlockSpec((_BN, nfeat), lambda i: (i, 0)),
          pl.BlockSpec((hdim, nfeat), lambda i: (0, 0)),
          pl.BlockSpec((1, hdim), lambda i: (0, 0)),
      ],
      out_specs=pl.BlockSpec((_BN, hdim), lambda i: (i, 0)),
      out_shape=jax.ShapeDtypeStruct((n_pad, hdim), jnp.float32),
  )(xp, Win, bWin2)


def _dense_layer(ssum, cntT, h, Wl, bl2, Wr, *, n_pad):
  nb = n_pad // _BN
  hdim = h.shape[1]

  def body(s0, s1, s2, s3, cnt_ref, h_ref, wl_ref, bl_ref, wr_ref, o_ref):
    cnt = cnt_ref[:, 0:1] + cnt_ref[:, 1:2]
    inv = 1.0 / jnp.maximum(cnt, 1.0)
    mean = jnp.concatenate(
        [s0[0], s1[0], s2[0], s3[0]],
        axis=1).astype(jnp.float32) * inv
    hv = h_ref[...]
    t = (lax.dot_general(mean, wl_ref[...], (((1,), (1,)), ((), ())),
                         preferred_element_type=jnp.float32)
         + bl_ref[...]
         + lax.dot_general(hv, wr_ref[...], (((1,), (1,)), ((), ())),
                           preferred_element_type=jnp.float32))
    o_ref[...] = hv + jnp.maximum(t, 0.0)

  g4 = hdim // 4
  sspec = [
      pl.BlockSpec((1, _BN, g4), functools.partial(
          lambda k, i: (k, i, 0), k)) for k in range(4)
  ]
  return pl.pallas_call(
      body,
      grid=(nb,),
      in_specs=sspec + [
          pl.BlockSpec((_BN, 2), lambda i: (i, 0)),
          pl.BlockSpec((_BN, hdim), lambda i: (i, 0)),
          pl.BlockSpec((hdim, hdim), lambda i: (0, 0)),
          pl.BlockSpec((1, hdim), lambda i: (0, 0)),
          pl.BlockSpec((hdim, hdim), lambda i: (0, 0)),
      ],
      out_specs=pl.BlockSpec((_BN, hdim), lambda i: (i, 0)),
      out_shape=jax.ShapeDtypeStruct((n_pad, hdim), jnp.float32),
  )(ssum, ssum, ssum, ssum, cntT, h, Wl, bl2, Wr)


def _dense_out(h, Wout, bWout2, *, n_pad):
  nb = n_pad // _BN
  hdim = h.shape[1]
  nclass = Wout.shape[0]

  def body(h_ref, w_ref, b_ref, o_ref):
    o_ref[...] = lax.dot_general(
        h_ref[...], w_ref[...], (((1,), (1,)), ((), ())),
        preferred_element_type=jnp.float32) + b_ref[...]

  return pl.pallas_call(
      body,
      grid=(nb,),
      in_specs=[
          pl.BlockSpec((_BN, hdim), lambda i: (i, 0)),
          pl.BlockSpec((nclass, hdim), lambda i: (0, 0)),
          pl.BlockSpec((1, nclass), lambda i: (0, 0)),
      ],
      out_specs=pl.BlockSpec((_BN, nclass), lambda i: (i, 0)),
      out_shape=jax.ShapeDtypeStruct((n_pad, nclass), jnp.float32),
  )(h, Wout, bWout2)


def kernel(x, edge_index, Win, bWin, Wl0, bl0, Wr0, Wl1, bl1, Wr1,
           Wl2, bl2, Wr2, Wl3, bl3, Wr3, Wout, bWout):
  n = x.shape[0]
  e = edge_index.shape[1]

  unit = 2048
  n_pad = ((n + 1 + unit - 1) // unit) * unit
  acc_rows = ((n + 1 + 63) // 64) * 64
  unit_e = 2 * _NRING
  per = _NS * _LANES * unit_e
  nch = unit_e * ((e + per - 1) // per)
  e_pad = _NS * _LANES * nch
  nch2 = nch // 2

  src = edge_index[0]
  dst = edge_index[1]
  pad_e = e_pad - e
  srcp = jnp.concatenate([src, jnp.zeros((pad_e,), jnp.int32)])
  dstp = jnp.concatenate([dst, jnp.full((pad_e,), n, jnp.int32)])
  src4 = 4 * srcp
  srcs = jnp.stack([src4 + k for k in range(4)]).reshape(
      4, _NS, nch, _LANES)
  dsts = dstp.reshape(_NS, nch, _LANES)
  dsts32 = dstp.reshape(2 * _NS, nch2, _LANES)

  cnt = _counts(dsts32, n_pad=n_pad, nch2=nch2).reshape(2, n_pad)
  cntT = cnt.T

  xp = jnp.pad(x, ((0, n_pad - n), (0, 0)))
  h = _dense_in(xp, Win, bWin.reshape(1, -1), n_pad=n_pad)

  Wls = jnp.stack([Wl0, Wl1, Wl2, Wl3])
  bls = jnp.stack([bl0.reshape(1, -1), bl1.reshape(1, -1),
                   bl2.reshape(1, -1), bl3.reshape(1, -1)])
  Wrs = jnp.stack([Wr0, Wr1, Wr2, Wr3])

  def layer(hc, wts):
    Wl, bl2, Wr = wts
    table = hc.astype(jnp.bfloat16).reshape(4 * n_pad, 16)
    ssum = _agg(table, srcs, dsts, n_pad=n_pad, nch=nch, acc_rows=acc_rows)
    return _dense_layer(ssum, cntT, hc, Wl, bl2, Wr, n_pad=n_pad), None

  h, _ = lax.scan(layer, h, (Wls, bls, Wrs))

  out = _dense_out(h, Wout, bWout.reshape(1, -1), n_pad=n_pad)
  return out[:n]

# --- scband reference (transcript-rebuilt; emitter-appended) ---
"""Pipeline reference for scband-sage-64433099375268 (READ-ONLY COPY).

The authoritative reference and input builder live on the scoring server;
editing this copy changes nothing except your own understanding.
"""

import jax, jax.numpy as jnp
import numpy as np

N = 50000
E = 800000
NFEAT = 128
HDIM = 64
NCLASS = 40


def setup_inputs(seed: int = 0):
    key = jax.random.key(seed)
    ks = jax.random.split(key, 24)
    s = 0.05
    inp = {}
    inp["x"] = jax.random.normal(ks[0], (N, NFEAT), dtype=jnp.float32)
    inp["edge_index"] = jax.random.randint(ks[1], (2, E), 0, N, dtype=jnp.int32)
    # lnin: Linear(nfeat -> hdim)
    inp["Win"] = jax.random.normal(ks[2], (HDIM, NFEAT), dtype=jnp.float32) * s
    inp["bWin"] = jax.random.normal(ks[3], (HDIM,), dtype=jnp.float32) * s
    # 4 x SAGEConv(hdim, hdim): lin_l (neighbor aggr, with bias), lin_r (root, no bias)
    for i in range(4):
        inp[f"Wl{i}"] = jax.random.normal(ks[4 + 3 * i], (HDIM, HDIM), dtype=jnp.float32) * s
        inp[f"bl{i}"] = jax.random.normal(ks[5 + 3 * i], (HDIM,), dtype=jnp.float32) * s
        inp[f"Wr{i}"] = jax.random.normal(ks[6 + 3 * i], (HDIM, HDIM), dtype=jnp.float32) * s
    # lnout: Linear(hdim -> nclass)
    inp["Wout"] = jax.random.normal(ks[16], (NCLASS, HDIM), dtype=jnp.float32) * s
    inp["bWout"] = jax.random.normal(ks[17], (NCLASS,), dtype=jnp.float32) * s
    return inp


def _sage_conv(h, src, dst, Wl, bl, Wr):
    # PyG SAGEConv with mean aggregation:
    # out = lin_l(mean_{j in N(i)} h_j) + lin_r(h_i)
    msgs = h[src]  # gather along edges
    summed = jax.ops.segment_sum(msgs, dst, num_segments=N)
    cnt = jax.ops.segment_sum(jnp.ones((msgs.shape[0],), dtype=h.dtype), dst, num_segments=N)
    mean = summed / jnp.maximum(cnt, 1.0)[:, None]
    return mean @ Wl.T + bl + h @ Wr.T


def reference(x, edge_index, Win, bWin, Wl0, bl0, Wr0, Wl1, bl1, Wr1, Wl2, bl2, Wr2, Wl3, bl3, Wr3, Wout, bWout):
    src = edge_index[0]
    dst = edge_index[1]
    h = x @ Win.T + bWin
    for (Wl, bl, Wr) in ((Wl0, bl0, Wr0), (Wl1, bl1, Wr1), (Wl2, bl2, Wr2), (Wl3, bl3, Wr3)):
        h_in = h
        h = jax.nn.relu(_sage_conv(h, src, dst, Wl, bl, Wr))
        h = h_in + h
    return h @ Wout.T + bWout

if __name__ == "__main__":
    import jax
    _d = setup_inputs()
    print(jax.jit(kernel)(*tuple(_d.values())))

</pallas_src>

<mosaic_0001>
#map = affine_map<(d0, d1) -> (0, 0, 0)>
module attributes {stable_mosaic.version = 14 : i64} {
  func.func @body(%arg0: i32, %arg1: i32, %arg2: memref<32x196x128xi32, #tpu.memory_space<hbm>>, %arg3: memref<2x1x51200xf32, #tpu.memory_space<hbm>>, %arg4: memref<196x128xi32, #tpu.memory_space<vmem>>, %arg5: memref<128xf32, #tpu.memory_space<vmem>>, %arg6: memref<3200xf32, #tpu.memory_space<vmem>>, %arg7: memref<51200xf32, #tpu.memory_space<vmem_shared>>) attributes {dimension_semantics = [#tpu.dimension_semantics<core_parallel>, #tpu.dimension_semantics<subcore_parallel>], iteration_bounds = array<i64: 2, 16>, scalar_prefetch = 0 : i64, scratch_operands = 4 : i64, tpu.core_type = #tpu.core_type<sc_vector_subcore>, window_params = [{transform_indices = #map}, {transform_indices = #map}]} {
    %mul3A = arith.constant 16 : i32
    %mul3A_0 = arith.muli %arg0, %mul3A : i32
    %add3A = arith.addi %mul3A_0, %arg1 : i32
    %mul3A_1 = arith.constant 3200 : i32
    %mul3A_2 = arith.muli %arg1, %mul3A_1 : i32
    %broadcast_in_dim3A = arith.constant 1.000000e+00 : f32
    %broadcast_in_dim3A_3 = vector.broadcast %broadcast_in_dim3A : f32 to vector<16xf32>
    %swap3A = arith.constant 0 : index
    %swap3A_4 = tpu.vector_load %arg5[%swap3A] {strides = array<i32>} : memref<128xf32, #tpu.memory_space<vmem>>, vector<16xf32>,
    %swap3A_5 = vector.shape_cast %swap3A_4 : vector<16xf32> to vector<16xf32>
    %swap3A_6 = vector.shape_cast %broadcast_in_dim3A_3 : vector<16xf32> to vector<16xf32>
    tpu.vector_store %arg5[%swap3A], %swap3A_6 {strides = array<i32>} : memref<128xf32, #tpu.memory_space<vmem>>, vector<16xf32>,
    %broadcast_in_dim3A_7 = arith.constant 1.000000e+00 : f32
    %broadcast_in_dim3A_8 = vector.broadcast %broadcast_in_dim3A_7 : f32 to vector<16xf32>
    %swap3A_9 = arith.constant 16 : index
    %swap3A_10 = tpu.vector_load %arg5[%swap3A_9] {strides = array<i32>} : memref<128xf32, #tpu.memory_space<vmem>>, vector<16xf32>,
    %swap3A_11 = vector.shape_cast %swap3A_10 : vector<16xf32> to vector<16xf32>
    %swap3A_12 = vector.shape_cast %broadcast_in_dim3A_8 : vector<16xf32> to vector<16xf32>
    tpu.vector_store %arg5[%swap3A_9], %swap3A_12 {strides = array<i32>} : memref<128xf32, #tpu.memory_space<vmem>>, vector<16xf32>,
    %broadcast_in_dim3A_13 = arith.constant 1.000000e+00 : f32
    %broadcast_in_dim3A_14 = vector.broadcast %broadcast_in_dim3A_13 : f32 to vector<16xf32>
    %swap3A_15 = arith.constant 32 : index
    %swap3A_16 = tpu.vector_load %arg5[%swap3A_15] {strides = array<i32>} : memref<128xf32, #tpu.memory_space<vmem>>, vector<16xf32>,
    %swap3A_17 = vector.shape_cast %swap3A_16 : vector<16xf32> to vector<16xf32>
    %swap3A_18 = vector.shape_cast %broadcast_in_dim3A_14 : vector<16xf32> to vector<16xf32>
    tpu.vector_store %arg5[%swap3A_15], %swap3A_18 {strides = array<i32>} : memref<128xf32, #tpu.memory_space<vmem>>, vector<16xf32>,
    %broadcast_in_dim3A_19 = arith.constant 1.000000e+00 : f32
    %broadcast_in_dim3A_20 = vector.broadcast %broadcast_in_dim3A_19 : f32 to vector<16xf32>
    %swap3A_21 = arith.constant 48 : index
    %swap3A_22 = tpu.vector_load %arg5[%swap3A_21] {strides = array<i32>} : memref<128xf32, #tpu.memory_space<vmem>>, vector<16xf32>,
    %swap3A_23 = vector.shape_cast %swap3A_22 : vector<16xf32> to vector<16xf32>
    %swap3A_24 = vector.shape_cast %broadcast_in_dim3A_20 : vector<16xf32> to vector<16xf32>
    tpu.vector_store %arg5[%swap3A_21], %swap3A_24 {strides = array<i32>} : memref<128xf32, #tpu.memory_space<vmem>>, vector<16xf32>,
    %broadcast_in_dim3A_25 = arith.constant 1.000000e+00 : f32
    %broadcast_in_dim3A_26 = vector.broadcast %broadcast_in_dim3A_25 : f32 to vector<16xf32>
    %swap3A_27 = arith.constant 64 : index
    %swap3A_28 = tpu.vector_load %arg5[%swap3A_27] {strides = array<i32>} : memref<128xf32, #tpu.memory_space<vmem>>, vector<16xf32>,
    %swap3A_29 = vector.shape_cast %swap3A_28 : vector<16xf32> to vector<16xf32>
    %swap3A_30 = vector.shape_cast %broadcast_in_dim3A_26 : vector<16xf32> to vector<16xf32>
    tpu.vector_store %arg5[%swap3A_27], %swap3A_30 {strides = array<i32>} : memref<128xf32, #tpu.memory_space<vmem>>, vector<16xf32>,
    %broadcast_in_dim3A_31 = arith.constant 1.000000e+00 : f32
    %broadcast_in_dim3A_32 = vector.broadcast %broadcast_in_dim3A_31 : f32 to vector<16xf32>
    %swap3A_33 = arith.constant 80 : index
    %swap3A_34 = tpu.vector_load %arg5[%swap3A_33] {strides = array<i32>} : memref<128xf32, #tpu.memory_space<vmem>>, vector<16xf32>,
    %swap3A_35 = vector.shape_cast %swap3A_34 : vector<16xf32> to vector<16xf32>
    %swap3A_36 = vector.shape_cast %broadcast_in_dim3A_32 : vector<16xf32> to vector<16xf32>
    tpu.vector_store %arg5[%swap3A_33], %swap3A_36 {strides = array<i32>} : memref<128xf32, #tpu.memory_space<vmem>>, vector<16xf32>,
    %broadcast_in_dim3A_37 = arith.constant 1.000000e+00 : f32
    %broadcast_in_dim3A_38 = vector.broadcast %broadcast_in_dim3A_37 : f32 to vector<16xf32>
    %swap3A_39 = arith.constant 96 : index
    %swap3A_40 = tpu.vector_load %arg5[%swap3A_39] {strides = array<i32>} : memref<128xf32, #tpu.memory_space<vmem>>, vector<16xf32>,
    %swap3A_41 = vector.shape_cast %swap3A_40 : vector<16xf32> to vector<16xf32>
    %swap3A_42 = vector.shape_cast %broadcast_in_dim3A_38 : vector<16xf32> to vector<16xf32>
    tpu.vector_store %arg5[%swap3A_39], %swap3A_42 {strides = array<i32>} : memref<128xf32, #tpu.memory_space<vmem>>, vector<16xf32>,
    %broadcast_in_dim3A_43 = arith.constant 1.000000e+00 : f32
    %broadcast_in_dim3A_44 = vector.broadcast %broadcast_in_dim3A_43 : f32 to vector<16xf32>
    %swap3A_45 = arith.constant 112 : index
    %swap3A_46 = tpu.vector_load %arg5[%swap3A_45] {strides = array<i32>} : memref<128xf32, #tpu.memory_space<vmem>>, vector<16xf32>,
    %swap3A_47 = vector.shape_cast %swap3A_46 : vector<16xf32> to vector<16xf32>
    %swap3A_48 = vector.shape_cast %broadcast_in_dim3A_44 : vector<16xf32> to vector<16xf32>
    tpu.vector_store %arg5[%swap3A_45], %swap3A_48 {strides = array<i32>} : memref<128xf32, #tpu.memory_space<vmem>>, vector<16xf32>,
    %scan3A = arith.constant 0 : i32
    %scan3A_49 = arith.constant 0 : i32
    %scan3A_50 = arith.constant 200 : i32
    %scan3A_51 = arith.addi %scan3A_49, %scan3A_50 : i32
    %scan3A_52 = arith.constant 1 : i32
    scf.for %scan3A_61 = %scan3A_49 to %scan3A_51 step %scan3A_52  : i32 {
      %broadcast_in_dim3A_62 = arith.constant 0.000000e+00 : f32
      %broadcast_in_dim3A_63 = vector.broadcast %broadcast_in_dim3A_62 : f32 to vector<16xf32>
      %mul3A_64 = arith.constant 16 : i32
      %mul3A_65 = arith.muli %scan3A_61, %mul3A_64 : i32
      %swap3A_66 = arith.index_cast %mul3A_65 : i32 to index
      %swap3A_67 = tpu.vector_load %arg6[%swap3A_66] {strides = array<i32>} : memref<3200xf32, #tpu.memory_space<vmem>>, vector<16xf32>,
      %swap3A_68 = vector.shape_cast %swap3A_67 : vector<16xf32> to vector<16xf32>
      %swap3A_69 = vector.shape_cast %broadcast_in_dim3A_63 : vector<16xf32> to vector<16xf32>
      tpu.vector_store %arg6[%swap3A_66], %swap3A_69 {strides = array<i32>} : memref<3200xf32, #tpu.memory_space<vmem>>, vector<16xf32>,
    }
    %scan3A_53 = arith.constant 200 : i32
    "tpu.region"() ({
      %run_scoped3A_61 = tpu.sem_alloc : memref<!tpu.dma_semaphore, #tpu.memory_space<semaphore_mem>>
      %dma_start3A = tpu.memref_slice %arg7[%mul3A_2] : memref<51200xf32, #tpu.memory_space<vmem_shared>> -> memref<3200xf32, #tpu.memory_space<vmem_shared>>
      %dma_start3A_62 = tpu.memref_slice %arg7[%mul3A_2] : memref<51200xf32, #tpu.memory_space<vmem_shared>> -> memref<3200xf32, #tpu.memory_space<vmem_shared>>
      tpu.enqueue_dma source(%arg6 : memref<3200xf32, #tpu.memory_space<vmem>>) target(%dma_start3A_62 : memref<3200xf32, #tpu.memory_space<vmem_shared>>) target_semaphore(%run_scoped3A_61 : memref<!tpu.dma_semaphore, #tpu.memory_space<semaphore_mem>>)
      %dma_wait3A = tpu.memref_slice %arg7[%mul3A_2] : memref<51200xf32, #tpu.memory_space<vmem_shared>> -> memref<3200xf32, #tpu.memory_space<vmem_shared>>
      %dma_wait3A_63 = tpu.memref_slice %arg7[%mul3A_2] : memref<51200xf32, #tpu.memory_space<vmem_shared>> -> memref<3200xf32, #tpu.memory_space<vmem_shared>>
      tpu.wait_dma2 semaphore(%run_scoped3A_61 : memref<!tpu.dma_semaphore, #tpu.memory_space<semaphore_mem>>) src(%arg6 : memref<3200xf32, #tpu.memory_space<vmem>>) dst(%dma_wait3A_63 : memref<3200xf32, #tpu.memory_space<vmem_shared>>)
      tpu.yield
    }) : () -> ()
    "tpu.region"() ({
      %run_scoped3A_61 = tpu.sem_alloc : memref<!tpu.dma_semaphore, #tpu.memory_space<semaphore_mem>>
      %dma_start3A = arith.constant 0 : i32
      %dma_start3A_62 = arith.constant 0 : i32
      %dma_start3A_63 = tpu.memref_slice %arg2[%add3A, %dma_start3A, %dma_start3A_62] : memref<32x196x128xi32, #tpu.memory_space<hbm>> -> memref<1x196x128xi32, #tpu.memory_space<hbm>>
      %dma_start3A_64 = tpu.memref_squeeze %dma_start3A_63 : memref<1x196x128xi32, #tpu.memory_space<hbm>> -> memref<196x128xi32, #tpu.memory_space<hbm>>
      %dma_start3A_65 = arith.constant 0 : i32
      %dma_start3A_66 = arith.constant 0 : i32
      %dma_start3A_67 = tpu.memref_slice %arg2[%add3A, %dma_start3A_65, %dma_start3A_66] : memref<32x196x128xi32, #tpu.memory_space<hbm>> -> memref<1x196x128xi32, #tpu.memory_space<hbm>>
      %dma_start3A_68 = tpu.memref_squeeze %dma_start3A_67 : memref<1x196x128xi32, #tpu.memory_space<hbm>> -> memref<196x128xi32, #tpu.memory_space<hbm>>
      tpu.enqueue_dma source(%dma_start3A_68 : memref<196x128xi32, #tpu.memory_space<hbm>>) target(%arg4 : memref<196x128xi32, #tpu.memory_space<vmem>>) target_semaphore(%run_scoped3A_61 : memref<!tpu.dma_semaphore, #tpu.memory_space<semaphore_mem>>)
      %dma_wait3A = arith.constant 0 : i32
      %dma_wait3A_69 = arith.constant 0 : i32
      %dma_wait3A_70 = tpu.memref_slice %arg2[%add3A, %dma_wait3A, %dma_wait3A_69] : memref<32x196x128xi32, #tpu.memory_space<hbm>> -> memref<1x196x128xi32, #tpu.memory_space<hbm>>
      %dma_wait3A_71 = tpu.memref_squeeze %dma_wait3A_70 : memref<1x196x128xi32, #tpu.memory_space<hbm>> -> memref<196x128xi32, #tpu.memory_space<hbm>>
      %dma_wait3A_72 = arith.constant 0 : i32
      %dma_wait3A_73 = arith.constant 0 : i32
      %dma_wait3A_74 = tpu.memref_slice %arg2[%add3A, %dma_wait3A_72, %dma_wait3A_73] : memref<32x196x128xi32, #tpu.memory_space<hbm>> -> memref<1x196x128xi32, #tpu.memory_space<hbm>>
      %dma_wait3A_75 = tpu.memref_squeeze %dma_wait3A_74 : memref<1x196x128xi32, #tpu.memory_space<hbm>> -> memref<196x128xi32, #tpu.memory_space<hbm>>
      tpu.wait_dma2 semaphore(%run_scoped3A_61 : memref<!tpu.dma_semaphore, #tpu.memory_space<semaphore_mem>>) src(%dma_wait3A_75 : memref<196x128xi32, #tpu.memory_space<hbm>>) dst(%arg4 : memref<196x128xi32, #tpu.memory_space<vmem>>)
      tpu.yield
    }) : () -> ()
    %barrier3A = arith.constant 0 : index
    tpu.barrier barrier_id(%barrier3A)
    %scan3A_54 = arith.constant 0 : i32
    %scan3A_55 = arith.constant 0 : i32
    %scan3A_56 = arith.constant 196 : i32
    %scan3A_57 = arith.addi %scan3A_55, %scan3A_56 : i32
    %scan3A_58 = arith.constant 1 : i32
    scf.for %scan3A_61 = %scan3A_55 to %scan3A_57 step %scan3A_58  : i32 {
      "tpu.region"() ({
        %run_scoped3A_62 = tpu.sem_alloc : memref<!tpu.dma_semaphore, #tpu.memory_space<semaphore_mem>>
        %dma_start3A = arith.constant 0 : i32
        %dma_start3A_63 = tpu.memref_slice %arg4[%scan3A_61, %dma_start3A] : memref<196x128xi32, #tpu.memory_space<vmem>> -> memref<1x128xi32, #tpu.memory_space<vmem>>
        %dma_start3A_64 = tpu.memref_squeeze %dma_start3A_63 : memref<1x128xi32, #tpu.memory_space<vmem>> -> memref<128xi32, #tpu.memory_space<vmem>>
        %dma_start3A_65 = arith.constant 0 : i32
        %dma_start3A_66 = tpu.memref_slice %arg7[%dma_start3A_65] : memref<51200xf32, #tpu.memory_space<vmem_shared>> -> memref<51200xf32, #tpu.memory_space<vmem_shared>>
        tpu.enqueue_indirect_dma source(%arg5 : memref<128xf32, #tpu.memory_space<vmem>>) target(%dma_start3A_66 : memref<51200xf32, #tpu.memory_space<vmem_shared>>) offsets(%dma_start3A_64 : memref<128xi32, #tpu.memory_space<vmem>>) semaphore(%run_scoped3A_62 : memref<!tpu.dma_semaphore, #tpu.memory_space<semaphore_mem>>) {add = true}
        %dma_wait3A = arith.constant 0 : i32
        %dma_wait3A_67 = tpu.memref_slice %arg4[%scan3A_61, %dma_wait3A] : memref<196x128xi32, #tpu.memory_space<vmem>> -> memref<1x128xi32, #tpu.memory_space<vmem>>
        %dma_wait3A_68 = tpu.memref_squeeze %dma_wait3A_67 : memref<1x128xi32, #tpu.memory_space<vmem>> -> memref<128xi32, #tpu.memory_space<vmem>>
        %dma_wait3A_69 = arith.constant 0 : i32
        %dma_wait3A_70 = tpu.memref_slice %arg7[%dma_wait3A_69] : memref<51200xf32, #tpu.memory_space<vmem_shared>> -> memref<51200xf32, #tpu.memory_space<vmem_shared>>
        tpu.wait_indirect_dma semaphore(%run_scoped3A_62 : memref<!tpu.dma_semaphore, #tpu.memory_space<semaphore_mem>>) src(%arg5 : memref<128xf32, #tpu.memory_space<vmem>>) dst(%dma_wait3A_70 : memref<51200xf32, #tpu.memory_space<vmem_shared>>)
        tpu.yield
      }) : () -> ()
    }
    %scan3A_59 = arith.constant 196 : i32
    %barrier3A_60 = arith.constant 0 : index
    tpu.barrier barrier_id(%barrier3A_60)
    "tpu.region"() ({
      %run_scoped3A_61 = tpu.sem_alloc : memref<!tpu.dma_semaphore, #tpu.memory_space<semaphore_mem>>
      %dma_start3A = tpu.memref_slice %arg7[%mul3A_2] : memref<51200xf32, #tpu.memory_space<vmem_shared>> -> memref<3200xf32, #tpu.memory_space<vmem_shared>>
      %dma_start3A_62 = tpu.memref_slice %arg7[%mul3A_2] : memref<51200xf32, #tpu.memory_space<vmem_shared>> -> memref<3200xf32, #tpu.memory_space<vmem_shared>>
      tpu.enqueue_dma source(%dma_start3A_62 : memref<3200xf32, #tpu.memory_space<vmem_shared>>) target(%arg6 : memref<3200xf32, #tpu.memory_space<vmem>>) target_semaphore(%run_scoped3A_61 : memref<!tpu.dma_semaphore, #tpu.memory_space<semaphore_mem>>)
      %dma_wait3A = tpu.memref_slice %arg7[%mul3A_2] : memref<51200xf32, #tpu.memory_space<vmem_shared>> -> memref<3200xf32, #tpu.memory_space<vmem_shared>>
      %dma_wait3A_63 = tpu.memref_slice %arg7[%mul3A_2] : memref<51200xf32, #tpu.memory_space<vmem_shared>> -> memref<3200xf32, #tpu.memory_space<vmem_shared>>
      tpu.wait_dma2 semaphore(%run_scoped3A_61 : memref<!tpu.dma_semaphore, #tpu.memory_space<semaphore_mem>>) src(%dma_wait3A_63 : memref<3200xf32, #tpu.memory_space<vmem_shared>>) dst(%arg6 : memref<3200xf32, #tpu.memory_space<vmem>>)
      tpu.yield
    }) : () -> ()
    %run_scoped3A = arith.constant 0 : i32
    "tpu.region"() ({
      %run_scoped3A_61 = tpu.sem_alloc : memref<!tpu.dma_semaphore, #tpu.memory_space<semaphore_mem>>
      %dma_start3A = tpu.memref_slice %arg3[%arg0, %run_scoped3A, %mul3A_2] : memref<2x1x51200xf32, #tpu.memory_space<hbm>> -> memref<1x1x3200xf32, #tpu.memory_space<hbm>>
      %dma_start3A_62 = tpu.memref_squeeze %dma_start3A : memref<1x1x3200xf32, #tpu.memory_space<hbm>> -> memref<3200xf32, #tpu.memory_space<hbm>>
      %dma_start3A_63 = tpu.memref_slice %arg3[%arg0, %run_scoped3A, %mul3A_2] : memref<2x1x51200xf32, #tpu.memory_space<hbm>> -> memref<1x1x3200xf32, #tpu.memory_space<hbm>>
      %dma_start3A_64 = tpu.memref_squeeze %dma_start3A_63 : memref<1x1x3200xf32, #tpu.memory_space<hbm>> -> memref<3200xf32, #tpu.memory_space<hbm>>
      tpu.enqueue_dma source(%arg6 : memref<3200xf32, #tpu.memory_space<vmem>>) target(%dma_start3A_64 : memref<3200xf32, #tpu.memory_space<hbm>>) target_semaphore(%run_scoped3A_61 : memref<!tpu.dma_semaphore, #tpu.memory_space<semaphore_mem>>)
      %dma_wait3A = tpu.memref_slice %arg3[%arg0, %run_scoped3A, %mul3A_2] : memref<2x1x51200xf32, #tpu.memory_space<hbm>> -> memref<1x1x3200xf32, #tpu.memory_space<hbm>>
      %dma_wait3A_65 = tpu.memref_squeeze %dma_wait3A : memref<1x1x3200xf32, #tpu.memory_space<hbm>> -> memref<3200xf32, #tpu.memory_space<hbm>>
      %dma_wait3A_66 = tpu.memref_slice %arg3[%arg0, %run_scoped3A, %mul3A_2] : memref<2x1x51200xf32, #tpu.memory_space<hbm>> -> memref<1x1x3200xf32, #tpu.memory_space<hbm>>
      %dma_wait3A_67 = tpu.memref_squeeze %dma_wait3A_66 : memref<1x1x3200xf32, #tpu.memory_space<hbm>> -> memref<3200xf32, #tpu.memory_space<hbm>>
      tpu.wait_dma2 semaphore(%run_scoped3A_61 : memref<!tpu.dma_semaphore, #tpu.memory_space<semaphore_mem>>) src(%arg6 : memref<3200xf32, #tpu.memory_space<vmem>>) dst(%dma_wait3A_67 : memref<3200xf32, #tpu.memory_space<hbm>>)
      tpu.yield
    }) : () -> ()
    return
  }
}

#map = affine_map<(d0, d1) -> (0, 0)>
#map1 = affine_map<(d0, d1) -> (0, 0, 0, 0)>
#map2 = affine_map<(d0, d1) -> (0, 0, 0)>
module attributes {stable_mosaic.version = 14 : i64} {
  func.func @body(%arg0: i32, %arg1: i32, %arg2: memref<204800x16xbf16, #tpu.memory_space<hbm>>, %arg3: memref<4x16x392x128xi32, #tpu.memory_space<hbm>>, %arg4: memref<16x392x128xi32, #tpu.memory_space<hbm>>, %arg5: memref<3128x16xbf16, #tpu.memory_space<hbm>>, %arg6: memref<4x51200x16xbf16, #tpu.memory_space<hbm>>, %arg7: memref<392x128xi32, #tpu.memory_space<vmem>>, %arg8: memref<392x128xi32, #tpu.memory_space<vmem>>, %arg9: memref<640x16xbf16, #tpu.memory_space<vmem>>, %arg10: memref<50048x16xbf16, #tpu.memory_space<vmem_shared>>, %arg11: memref<5x!tpu.dma_semaphore, #tpu.memory_space<semaphore_mem>>, %arg12: memref<5x!tpu.dma_semaphore, #tpu.memory_space<semaphore_mem>>) attributes {dimension_semantics = [#tpu.dimension_semantics<core_parallel>, #tpu.dimension_semantics<subcore_parallel>], iteration_bounds = array<i64: 2, 16>, scalar_prefetch = 0 : i64, scratch_operands = 6 : i64, tpu.core_type = #tpu.core_type<sc_vector_subcore>, window_params = [{transform_indices = #map}, {transform_indices = #map1}, {transform_indices = #map2}, {transform_indices = #map}, {transform_indices = #map2}]} {
    %mul3A = arith.constant 3128 : i32
    %mul3A_0 = arith.muli %arg1, %mul3A : i32
    "tpu.region"() ({
      %run_scoped3A = tpu.sem_alloc : memref<!tpu.dma_semaphore, #tpu.memory_space<semaphore_mem>>
      %dma_start3A = arith.constant 0 : i32
      %dma_start3A_6 = arith.constant 0 : i32
      %dma_start3A_7 = tpu.memref_slice %arg4[%arg1, %dma_start3A, %dma_start3A_6] : memref<16x392x128xi32, #tpu.memory_space<hbm>> -> memref<1x392x128xi32, #tpu.memory_space<hbm>>
      %dma_start3A_8 = tpu.memref_squeeze %dma_start3A_7 : memref<1x392x128xi32, #tpu.memory_space<hbm>> -> memref<392x128xi32, #tpu.memory_space<hbm>>
      %dma_start3A_9 = arith.constant 0 : i32
      %dma_start3A_10 = arith.constant 0 : i32
      %dma_start3A_11 = tpu.memref_slice %arg4[%arg1, %dma_start3A_9, %dma_start3A_10] : memref<16x392x128xi32, #tpu.memory_space<hbm>> -> memref<1x392x128xi32, #tpu.memory_space<hbm>>
      %dma_start3A_12 = tpu.memref_squeeze %dma_start3A_11 : memref<1x392x128xi32, #tpu.memory_space<hbm>> -> memref<392x128xi32, #tpu.memory_space<hbm>>
      tpu.enqueue_dma source(%dma_start3A_12 : memref<392x128xi32, #tpu.memory_space<hbm>>) target(%arg8 : memref<392x128xi32, #tpu.memory_space<vmem>>) target_semaphore(%run_scoped3A : memref<!tpu.dma_semaphore, #tpu.memory_space<semaphore_mem>>)
      %dma_wait3A = arith.constant 0 : i32
      %dma_wait3A_13 = arith.constant 0 : i32
      %dma_wait3A_14 = tpu.memref_slice %arg4[%arg1, %dma_wait3A, %dma_wait3A_13] : memref<16x392x128xi32, #tpu.memory_space<hbm>> -> memref<1x392x128xi32, #tpu.memory_space<hbm>>
      %dma_wait3A_15 = tpu.memref_squeeze %dma_wait3A_14 : memref<1x392x128xi32, #tpu.memory_space<hbm>> -> memref<392x128xi32, #tpu.memory_space<hbm>>
      %dma_wait3A_16 = arith.constant 0 : i32
      %dma_wait3A_17 = arith.constant 0 : i32
      %dma_wait3A_18 = tpu.memref_slice %arg4[%arg1, %dma_wait3A_16, %dma_wait3A_17] : memref<16x392x128xi32, #tpu.memory_space<hbm>> -> memref<1x392x128xi32, #tpu.memory_space<hbm>>
      %dma_wait3A_19 = tpu.memref_squeeze %dma_wait3A_18 : memref<1x392x128xi32, #tpu.memory_space<hbm>> -> memref<392x128xi32, #tpu.memory_space<hbm>>
      tpu.wait_dma2 semaphore(%run_scoped3A : memref<!tpu.dma_semaphore, #tpu.memory_space<semaphore_mem>>) src(%dma_wait3A_19 : memref<392x128xi32, #tpu.memory_space<hbm>>) dst(%arg8 : memref<392x128xi32, #tpu.memory_space<vmem>>)
      tpu.yield
    }) : () -> ()
    %scan3A = arith.constant 0 : i32
    %scan3A_1 = arith.constant 0 : i32
    %scan3A_2 = arith.constant 2 : i32
    %scan3A_3 = arith.addi %scan3A_1, %scan3A_2 : i32
    %scan3A_4 = arith.constant 1 : i32
    scf.for %scan3A_6 = %scan3A_1 to %scan3A_3 step %scan3A_4  : i32 {
      %mul3A_7 = arith.constant 2 : i32
      %mul3A_8 = arith.muli %mul3A_7, %arg0 : i32
      %add3A = arith.addi %mul3A_8, %scan3A_6 : i32
      "tpu.region"() ({
        %run_scoped3A = tpu.sem_alloc : memref<!tpu.dma_semaphore, #tpu.memory_space<semaphore_mem>>
        %dma_start3A = arith.constant 0 : i32
        %dma_start3A_46 = tpu.memref_slice %arg10[%mul3A_0, %dma_start3A] : memref<50048x16xbf16, #tpu.memory_space<vmem_shared>> -> memref<3128x16xbf16, #tpu.memory_space<vmem_shared>>
        tpu.enqueue_dma source(%arg5 : memref<3128x16xbf16, #tpu.memory_space<hbm>>) target(%dma_start3A_46 : memref<3128x16xbf16, #tpu.memory_space<vmem_shared>>) target_semaphore(%run_scoped3A : memref<!tpu.dma_semaphore, #tpu.memory_space<semaphore_mem>>)
        %dma_wait3A_47 = arith.constant 0 : i32
        %dma_wait3A_48 = tpu.memref_slice %arg10[%mul3A_0, %dma_wait3A_47] : memref<50048x16xbf16, #tpu.memory_space<vmem_shared>> -> memref<3128x16xbf16, #tpu.memory_space<vmem_shared>>
        tpu.wait_dma2 semaphore(%run_scoped3A : memref<!tpu.dma_semaphore, #tpu.memory_space<semaphore_mem>>) src(%arg5 : memref<3128x16xbf16, #tpu.memory_space<hbm>>) dst(%dma_wait3A_48 : memref<3128x16xbf16, #tpu.memory_space<vmem_shared>>)
        tpu.yield
      }) : () -> ()
      "tpu.region"() ({
        %run_scoped3A = tpu.sem_alloc : memref<!tpu.dma_semaphore, #tpu.memory_space<semaphore_mem>>
        %dma_start3A = arith.constant 0 : i32
        %dma_start3A_46 = arith.constant 0 : i32
        %dma_start3A_47 = tpu.memref_slice %arg3[%add3A, %arg1, %dma_start3A, %dma_start3A_46] : memref<4x16x392x128xi32, #tpu.memory_space<hbm>> -> memref<1x1x392x128xi32, #tpu.memory_space<hbm>>
        %dma_start3A_48 = tpu.memref_squeeze %dma_start3A_47 : memref<1x1x392x128xi32, #tpu.memory_space<hbm>> -> memref<392x128xi32, #tpu.memory_space<hbm>>
        %dma_start3A_49 = arith.constant 0 : i32
        %dma_start3A_50 = arith.constant 0 : i32
        %dma_start3A_51 = tpu.memref_slice %arg3[%add3A, %arg1, %dma_start3A_49, %dma_start3A_50] : memref<4x16x392x128xi32, #tpu.memory_space<hbm>> -> memref<1x1x392x128xi32, #tpu.memory_space<hbm>>
        %dma_start3A_52 = tpu.memref_squeeze %dma_start3A_51 : memref<1x1x392x128xi32, #tpu.memory_space<hbm>> -> memref<392x128xi32, #tpu.memory_space<hbm>>
        tpu.enqueue_dma source(%dma_start3A_52 : memref<392x128xi32, #tpu.memory_space<hbm>>) target(%arg7 : memref<392x128xi32, #tpu.memory_space<vmem>>) target_semaphore(%run_scoped3A : memref<!tpu.dma_semaphore, #tpu.memory_space<semaphore_mem>>)
        %dma_wait3A_53 = arith.constant 0 : i32
        %dma_wait3A_54 = arith.constant 0 : i32
        %dma_wait3A_55 = tpu.memref_slice %arg3[%add3A, %arg1, %dma_wait3A_53, %dma_wait3A_54] : memref<4x16x392x128xi32, #tpu.memory_space<hbm>> -> memref<1x1x392x128xi32, #tpu.memory_space<hbm>>
        %dma_wait3A_56 = tpu.memref_squeeze %dma_wait3A_55 : memref<1x1x392x128xi32, #tpu.memory_space<hbm>> -> memref<392x128xi32, #tpu.memory_space<hbm>>
        %dma_wait3A_57 = arith.constant 0 : i32
        %dma_wait3A_58 = arith.constant 0 : i32
        %dma_wait3A_59 = tpu.memref_slice %arg3[%add3A, %arg1, %dma_wait3A_57, %dma_wait3A_58] : memref<4x16x392x128xi32, #tpu.memory_space<hbm>> -> memref<1x1x392x128xi32, #tpu.memory_space<hbm>>
        %dma_wait3A_60 = tpu.memref_squeeze %dma_wait3A_59 : memref<1x1x392x128xi32, #tpu.memory_space<hbm>> -> memref<392x128xi32, #tpu.memory_space<hbm>>
        tpu.wait_dma2 semaphore(%run_scoped3A : memref<!tpu.dma_semaphore, #tpu.memory_space<semaphore_mem>>) src(%dma_wait3A_60 : memref<392x128xi32, #tpu.memory_space<hbm>>) dst(%arg7 : memref<392x128xi32, #tpu.memory_space<vmem>>)
        tpu.yield
      }) : () -> ()
      %barrier3A = arith.constant 0 : index
      tpu.barrier barrier_id(%barrier3A)
      %scan3A_9 = arith.constant 0 : i32
      %scan3A_10 = arith.constant 0 : i32
      %scan3A_11 = arith.constant 5 : i32
      %scan3A_12 = arith.addi %scan3A_10, %scan3A_11 : i32
      %scan3A_13 = arith.constant 1 : i32
      scf.for %scan3A_46 = %scan3A_10 to %scan3A_12 step %scan3A_13  : i32 {
        %mul3A_47 = arith.constant 128 : i32
        %mul3A_48 = arith.muli %scan3A_46, %mul3A_47 : i32
        %dma_start3A = arith.constant 0 : i32
        %dma_start3A_49 = tpu.memref_slice %arg9[%mul3A_48, %dma_start3A] : memref<640x16xbf16, #tpu.memory_space<vmem>> -> memref<128x16xbf16, #tpu.memory_space<vmem>>
        %dma_start3A_50 = arith.constant 0 : i32
        %dma_start3A_51 = tpu.memref_slice %arg7[%scan3A_46, %dma_start3A_50] : memref<392x128xi32, #tpu.memory_space<vmem>> -> memref<1x128xi32, #tpu.memory_space<vmem>>
        %dma_start3A_52 = tpu.memref_squeeze %dma_start3A_51 : memref<1x128xi32, #tpu.memory_space<vmem>> -> memref<128xi32, #tpu.memory_space<vmem>>
        %dma_start3A_53 = arith.constant 0 : i32
        %dma_start3A_54 = arith.constant 0 : i32
        %dma_start3A_55 = tpu.memref_slice %arg2[%dma_start3A_53, %dma_start3A_54] : memref<204800x16xbf16, #tpu.memory_space<hbm>> -> memref<204800x16xbf16, #tpu.memory_space<hbm>>
        %dma_start3A_56 = tpu.memref_slice %arg11[%scan3A_46] : memref<5x!tpu.dma_semaphore, #tpu.memory_space<semaphore_mem>> -> memref<1x!tpu.dma_semaphore, #tpu.memory_space<semaphore_mem>>
        %dma_start3A_57 = tpu.memref_squeeze %dma_start3A_56 : memref<1x!tpu.dma_semaphore, #tpu.memory_space<semaphore_mem>> -> memref<!tpu.dma_semaphore, #tpu.memory_space<semaphore_mem>>
        tpu.enqueue_indirect_dma source(%dma_start3A_55 : memref<204800x16xbf16, #tpu.memory_space<hbm>>) target(%dma_start3A_49 : memref<128x16xbf16, #tpu.memory_space<vmem>>) offsets(%dma_start3A_52 : memref<128xi32, #tpu.memory_space<vmem>>) semaphore(%dma_start3A_57 : memref<!tpu.dma_semaphore, #tpu.memory_space<semaphore_mem>>)
      }
      %scan3A_14 = arith.constant 5 : i32
      %scan3A_15 = arith.constant 0 : i32
      %scan3A_16 = arith.constant 0 : i32
      %scan3A_17 = arith.constant 392 : i32
      %scan3A_18 = arith.addi %scan3A_16, %scan3A_17 : i32
      %scan3A_19 = arith.constant 1 : i32
      scf.for %scan3A_46 = %scan3A_16 to %scan3A_18 step %scan3A_19  : i32 {
        %rem3A_47 = arith.constant 5 : i32
        %rem3A_48 = arith.remsi %scan3A_46, %rem3A_47 : i32
        %mul3A_49 = arith.constant 128 : i32
        %mul3A_50 = arith.muli %rem3A_48, %mul3A_49 : i32
        %dma_wait3A_51 = arith.constant 0 : i32
        %dma_wait3A_52 = arith.constant 0 : i32
        %dma_wait3A_53 = tpu.memref_slice %arg9[%mul3A_50, %dma_wait3A_52] : memref<640x16xbf16, #tpu.memory_space<vmem>> -> memref<128x16xbf16, #tpu.memory_space<vmem>>
        %dma_wait3A_54 = arith.constant 0 : i32
        %dma_wait3A_55 = tpu.memref_slice %arg7[%dma_wait3A_51, %dma_wait3A_54] : memref<392x128xi32, #tpu.memory_space<vmem>> -> memref<1x128xi32, #tpu.memory_space<vmem>>
        %dma_wait3A_56 = tpu.memref_squeeze %dma_wait3A_55 : memref<1x128xi32, #tpu.memory_space<vmem>> -> memref<128xi32, #tpu.memory_space<vmem>>
        %dma_wait3A_57 = arith.constant 0 : i32
        %dma_wait3A_58 = arith.constant 0 : i32
        %dma_wait3A_59 = tpu.memref_slice %arg2[%dma_wait3A_57, %dma_wait3A_58] : memref<204800x16xbf16, #tpu.memory_space<hbm>> -> memref<204800x16xbf16, #tpu.memory_space<hbm>>
        %dma_wait3A_60 = tpu.memref_slice %arg11[%rem3A_48] : memref<5x!tpu.dma_semaphore, #tpu.memory_space<semaphore_mem>> -> memref<1x!tpu.dma_semaphore, #tpu.memory_space<semaphore_mem>>
        %dma_wait3A_61 = tpu.memref_squeeze %dma_wait3A_60 : memref<1x!tpu.dma_semaphore, #tpu.memory_space<semaphore_mem>> -> memref<!tpu.dma_semaphore, #tpu.memory_space<semaphore_mem>>
        tpu.wait_indirect_dma semaphore(%dma_wait3A_61 : memref<!tpu.dma_semaphore, #tpu.memory_space<semaphore_mem>>) src(%dma_wait3A_59 : memref<204800x16xbf16, #tpu.memory_space<hbm>>) dst(%dma_wait3A_53 : memref<128x16xbf16, #tpu.memory_space<vmem>>)
        %mul3A_62 = arith.constant 128 : i32
        %mul3A_63 = arith.muli %rem3A_48, %mul3A_62 : i32
        %dma_start3A = arith.constant 0 : i32
        %dma_start3A_64 = tpu.memref_slice %arg9[%mul3A_63, %dma_start3A] : memref<640x16xbf16, #tpu.memory_space<vmem>> -> memref<128x16xbf16, #tpu.memory_space<vmem>>
        %dma_start3A_65 = arith.constant 0 : i32
        %dma_start3A_66 = tpu.memref_slice %arg8[%scan3A_46, %dma_start3A_65] : memref<392x128xi32, #tpu.memory_space<vmem>> -> memref<1x128xi32, #tpu.memory_space<vmem>>
        %dma_start3A_67 = tpu.memref_squeeze %dma_start3A_66 : memref<1x128xi32, #tpu.memory_space<vmem>> -> memref<128xi32, #tpu.memory_space<vmem>>
        %dma_start3A_68 = arith.constant 0 : i32
        %dma_start3A_69 = arith.constant 0 : i32
        %dma_start3A_70 = tpu.memref_slice %arg10[%dma_start3A_68, %dma_start3A_69] : memref<50048x16xbf16, #tpu.memory_space<vmem_shared>> -> memref<50048x16xbf16, #tpu.memory_space<vmem_shared>>
        %dma_start3A_71 = tpu.memref_slice %arg12[%rem3A_48] : memref<5x!tpu.dma_semaphore, #tpu.memory_space<semaphore_mem>> -> memref<1x!tpu.dma_semaphore, #tpu.memory_space<semaphore_mem>>
        %dma_start3A_72 = tpu.memref_squeeze %dma_start3A_71 : memref<1x!tpu.dma_semaphore, #tpu.memory_space<semaphore_mem>> -> memref<!tpu.dma_semaphore, #tpu.memory_space<semaphore_mem>>
        tpu.enqueue_indirect_dma source(%dma_start3A_64 : memref<128x16xbf16, #tpu.memory_space<vmem>>) target(%dma_start3A_70 : memref<50048x16xbf16, #tpu.memory_space<vmem_shared>>) offsets(%dma_start3A_67 : memref<128xi32, #tpu.memory_space<vmem>>) semaphore(%dma_start3A_72 : memref<!tpu.dma_semaphore, #tpu.memory_space<semaphore_mem>>) {add = true}
        %sub3A = arith.constant 1 : i32
        %sub3A_73 = arith.subi %scan3A_46, %sub3A : i32
        %add3A_74 = arith.constant 5 : i32
        %add3A_75 = arith.addi %sub3A_73, %add3A_74 : i32
        %rem3A_76 = arith.constant 5 : i32
        %rem3A_77 = arith.remsi %add3A_75, %rem3A_76 : i32
        %ge3A = arith.constant 1 : i32
        %ge3A_78 = arith.cmpi sge, %scan3A_46, %ge3A : i32
        %convert_element_type3A = arith.extui %ge3A_78 : i1 to i32
        %cond3A = arith.constant 0 : i32
        %cond3A_79 = arith.cmpi ne, %convert_element_type3A, %cond3A : i32
        scf.if %cond3A_79 {
          %mul3A_80 = arith.constant 128 : i32
          %mul3A_81 = arith.muli %rem3A_77, %mul3A_80 : i32
          %dma_wait3A_82 = arith.constant 0 : i32
          %dma_wait3A_83 = arith.constant 0 : i32
          %dma_wait3A_84 = tpu.memref_slice %arg9[%mul3A_81, %dma_wait3A_83] : memref<640x16xbf16, #tpu.memory_space<vmem>> -> memref<128x16xbf16, #tpu.memory_space<vmem>>
          %dma_wait3A_85 = arith.constant 0 : i32
          %dma_wait3A_86 = tpu.memref_slice %arg7[%dma_wait3A_82, %dma_wait3A_85] : memref<392x128xi32, #tpu.memory_space<vmem>> -> memref<1x128xi32, #tpu.memory_space<vmem>>
          %dma_wait3A_87 = tpu.memref_squeeze %dma_wait3A_86 : memref<1x128xi32, #tpu.memory_space<vmem>> -> memref<128xi32, #tpu.memory_space<vmem>>
          %dma_wait3A_88 = arith.constant 0 : i32
          %dma_wait3A_89 = arith.constant 0 : i32
          %dma_wait3A_90 = tpu.memref_slice %arg2[%dma_wait3A_88, %dma_wait3A_89] : memref<204800x16xbf16, #tpu.memory_space<hbm>> -> memref<204800x16xbf16, #tpu.memory_space<hbm>>
          %dma_wait3A_91 = tpu.memref_slice %arg12[%rem3A_77] : memref<5x!tpu.dma_semaphore, #tpu.memory_space<semaphore_mem>> -> memref<1x!tpu.dma_semaphore, #tpu.memory_space<semaphore_mem>>
          %dma_wait3A_92 = tpu.memref_squeeze %dma_wait3A_91 : memref<1x!tpu.dma_semaphore, #tpu.memory_space<semaphore_mem>> -> memref<!tpu.dma_semaphore, #tpu.memory_space<semaphore_mem>>
          tpu.wait_indirect_dma semaphore(%dma_wait3A_92 : memref<!tpu.dma_semaphore, #tpu.memory_space<semaphore_mem>>) src(%dma_wait3A_90 : memref<204800x16xbf16, #tpu.memory_space<hbm>>) dst(%dma_wait3A_84 : memref<128x16xbf16, #tpu.memory_space<vmem>>)
          %add3A_93 = arith.constant 5 : i32
          %add3A_94 = arith.addi %scan3A_46, %add3A_93 : i32
          %sub3A_95 = arith.constant 1 : i32
          %sub3A_96 = arith.subi %add3A_94, %sub3A_95 : i32
          %lt3A = arith.constant 392 : i32
          %lt3A_97 = arith.cmpi slt, %sub3A_96, %lt3A : i32
          %convert_element_type3A_98 = arith.extui %lt3A_97 : i1 to i32
          %cond3A_99 = arith.constant 0 : i32
          %cond3A_100 = arith.cmpi ne, %convert_element_type3A_98, %cond3A_99 : i32
          scf.if %cond3A_100 {
            %add3A_101 = arith.constant 5 : i32
            %add3A_102 = arith.addi %scan3A_46, %add3A_101 : i32
            %sub3A_103 = arith.constant 1 : i32
            %sub3A_104 = arith.subi %add3A_102, %sub3A_103 : i32
            %mul3A_105 = arith.constant 128 : i32
            %mul3A_106 = arith.muli %rem3A_77, %mul3A_105 : i32
            %dma_start3A_107 = arith.constant 0 : i32
            %dma_start3A_108 = tpu.memref_slice %arg9[%mul3A_106, %dma_start3A_107] : memref<640x16xbf16, #tpu.memory_space<vmem>> -> memref<128x16xbf16, #tpu.memory_space<vmem>>
            %dma_start3A_109 = arith.constant 0 : i32
            %dma_start3A_110 = tpu.memref_slice %arg7[%sub3A_104, %dma_start3A_109] : memref<392x128xi32, #tpu.memory_space<vmem>> -> memref<1x128xi32, #tpu.memory_space<vmem>>
            %dma_start3A_111 = tpu.memref_squeeze %dma_start3A_110 : memref<1x128xi32, #tpu.memory_space<vmem>> -> memref<128xi32, #tpu.memory_space<vmem>>
            %dma_start3A_112 = arith.constant 0 : i32
            %dma_start3A_113 = arith.constant 0 : i32
            %dma_start3A_114 = tpu.memref_slice %arg2[%dma_start3A_112, %dma_start3A_113] : memref<204800x16xbf16, #tpu.memory_space<hbm>> -> memref<204800x16xbf16, #tpu.memory_space<hbm>>
            %dma_start3A_115 = tpu.memref_slice %arg11[%rem3A_77] : memref<5x!tpu.dma_semaphore, #tpu.memory_space<semaphore_mem>> -> memref<1x!tpu.dma_semaphore, #tpu.memory_space<semaphore_mem>>
            %dma_start3A_116 = tpu.memref_squeeze %dma_start3A_115 : memref<1x!tpu.dma_semaphore, #tpu.memory_space<semaphore_mem>> -> memref<!tpu.dma_semaphore, #tpu.memory_space<semaphore_mem>>
            tpu.enqueue_indirect_dma source(%dma_start3A_114 : memref<204800x16xbf16, #tpu.memory_space<hbm>>) target(%dma_start3A_108 : memref<128x16xbf16, #tpu.memory_space<vmem>>) offsets(%dma_start3A_111 : memref<128xi32, #tpu.memory_space<vmem>>) semaphore(%dma_start3A_116 : memref<!tpu.dma_semaphore, #tpu.memory_space<semaphore_mem>>)
          } else {
          }
        } else {
        }
      }
      %scan3A_20 = arith.constant 392 : i32
      %scan3A_21 = arith.constant 0 : i32
      %scan3A_22 = arith.constant 0 : i32
      %add3A_23 = arith.constant 391 : i32
      %add3A_24 = arith.addi %add3A_23, %scan3A_22 : i32
      %rem3A = arith.constant 5 : i32
      %rem3A_25 = arith.remsi %add3A_24, %rem3A : i32
      %mul3A_26 = arith.constant 128 : i32
      %mul3A_27 = arith.muli %rem3A_25, %mul3A_26 : i32
      %dma_wait3A = arith.constant 0 : i32
      %dma_wait3A_28 = arith.constant 0 : i32
      %dma_wait3A_29 = tpu.memref_slice %arg9[%mul3A_27, %dma_wait3A_28] : memref<640x16xbf16, #tpu.memory_space<vmem>> -> memref<128x16xbf16, #tpu.memory_space<vmem>>
      %dma_wait3A_30 = arith.constant 0 : i32
      %dma_wait3A_31 = tpu.memref_slice %arg7[%dma_wait3A, %dma_wait3A_30] : memref<392x128xi32, #tpu.memory_space<vmem>> -> memref<1x128xi32, #tpu.memory_space<vmem>>
      %dma_wait3A_32 = tpu.memref_squeeze %dma_wait3A_31 : memref<1x128xi32, #tpu.memory_space<vmem>> -> memref<128xi32, #tpu.memory_space<vmem>>
      %dma_wait3A_33 = arith.constant 0 : i32
      %dma_wait3A_34 = arith.constant 0 : i32
      %dma_wait3A_35 = tpu.memref_slice %arg2[%dma_wait3A_33, %dma_wait3A_34] : memref<204800x16xbf16, #tpu.memory_space<hbm>> -> memref<204800x16xbf16, #tpu.memory_space<hbm>>
      %dma_wait3A_36 = tpu.memref_slice %arg12[%rem3A_25] : memref<5x!tpu.dma_semaphore, #tpu.memory_space<semaphore_mem>> -> memref<1x!tpu.dma_semaphore, #tpu.memory_space<semaphore_mem>>
      %dma_wait3A_37 = tpu.memref_squeeze %dma_wait3A_36 : memref<1x!tpu.dma_semaphore, #tpu.memory_space<semaphore_mem>> -> memref<!tpu.dma_semaphore, #tpu.memory_space<semaphore_mem>>
      tpu.wait_indirect_dma semaphore(%dma_wait3A_37 : memref<!tpu.dma_semaphore, #tpu.memory_space<semaphore_mem>>) src(%dma_wait3A_35 : memref<204800x16xbf16, #tpu.memory_space<hbm>>) dst(%dma_wait3A_29 : memref<128x16xbf16, #tpu.memory_space<vmem>>)
      %scan3A_38 = arith.constant 1 : i32
      %barrier3A_39 = arith.constant 0 : index
      tpu.barrier barrier_id(%barrier3A_39)
      %scan3A_40 = arith.constant 0 : i32
      %scan3A_41 = arith.constant 0 : i32
      %scan3A_42 = arith.constant 8 : i32
      %scan3A_43 = arith.addi %scan3A_41, %scan3A_42 : i32
      %scan3A_44 = arith.constant 1 : i32
      scf.for %scan3A_46 = %scan3A_41 to %scan3A_43 step %scan3A_44  : i32 {
        %mul3A_47 = arith.constant 391 : i32
        %mul3A_48 = arith.muli %scan3A_46, %mul3A_47 : i32
        %add3A_49 = arith.addi %mul3A_0, %mul3A_48 : i32
        "tpu.region"() ({
          %run_scoped3A = tpu.sem_alloc : memref<!tpu.dma_semaphore, #tpu.memory_space<semaphore_mem>>
          %dma_start3A = arith.constant 0 : i32
          %dma_start3A_53 = arith.constant 0 : i32
          %dma_start3A_54 = tpu.memref_slice %arg9[%dma_start3A, %dma_start3A_53] : memref<640x16xbf16, #tpu.memory_space<vmem>> -> memref<391x16xbf16, #tpu.memory_space<vmem>>
          %dma_start3A_55 = arith.constant 0 : i32
          %dma_start3A_56 = tpu.memref_slice %arg10[%add3A_49, %dma_start3A_55] : memref<50048x16xbf16, #tpu.memory_space<vmem_shared>> -> memref<391x16xbf16, #tpu.memory_space<vmem_shared>>
          %dma_start3A_57 = arith.constant 0 : i32
          %dma_start3A_58 = arith.constant 0 : i32
          %dma_start3A_59 = tpu.memref_slice %arg9[%dma_start3A_57, %dma_start3A_58] : memref<640x16xbf16, #tpu.memory_space<vmem>> -> memref<391x16xbf16, #tpu.memory_space<vmem>>
          %dma_start3A_60 = arith.constant 0 : i32
          %dma_start3A_61 = tpu.memref_slice %arg10[%add3A_49, %dma_start3A_60] : memref<50048x16xbf16, #tpu.memory_space<vmem_shared>> -> memref<391x16xbf16, #tpu.memory_space<vmem_shared>>
          tpu.enqueue_dma source(%dma_start3A_61 : memref<391x16xbf16, #tpu.memory_space<vmem_shared>>) target(%dma_start3A_59 : memref<391x16xbf16, #tpu.memory_space<vmem>>) target_semaphore(%run_scoped3A : memref<!tpu.dma_semaphore, #tpu.memory_space<semaphore_mem>>)
          %dma_wait3A_62 = arith.constant 0 : i32
          %dma_wait3A_63 = arith.constant 0 : i32
          %dma_wait3A_64 = tpu.memref_slice %arg9[%dma_wait3A_62, %dma_wait3A_63] : memref<640x16xbf16, #tpu.memory_space<vmem>> -> memref<391x16xbf16, #tpu.memory_space<vmem>>
          %dma_wait3A_65 = arith.constant 0 : i32
          %dma_wait3A_66 = tpu.memref_slice %arg10[%add3A_49, %dma_wait3A_65] : memref<50048x16xbf16, #tpu.memory_space<vmem_shared>> -> memref<391x16xbf16, #tpu.memory_space<vmem_shared>>
          %dma_wait3A_67 = arith.constant 0 : i32
          %dma_wait3A_68 = arith.constant 0 : i32
          %dma_wait3A_69 = tpu.memref_slice %arg9[%dma_wait3A_67, %dma_wait3A_68] : memref<640x16xbf16, #tpu.memory_space<vmem>> -> memref<391x16xbf16, #tpu.memory_space<vmem>>
          %dma_wait3A_70 = arith.constant 0 : i32
          %dma_wait3A_71 = tpu.memref_slice %arg10[%add3A_49, %dma_wait3A_70] : memref<50048x16xbf16, #tpu.memory_space<vmem_shared>> -> memref<391x16xbf16, #tpu.memory_space<vmem_shared>>
          tpu.wait_dma2 semaphore(%run_scoped3A : memref<!tpu.dma_semaphore, #tpu.memory_space<semaphore_mem>>) src(%dma_wait3A_71 : memref<391x16xbf16, #tpu.memory_space<vmem_shared>>) dst(%dma_wait3A_69 : memref<391x16xbf16, #tpu.memory_space<vmem>>)
          tpu.yield
        }) : () -> ()
        %mul3A_50 = arith.constant 391 : i32
        %mul3A_51 = arith.muli %scan3A_46, %mul3A_50 : i32
        %add3A_52 = arith.addi %mul3A_0, %mul3A_51 : i32
        "tpu.region"() ({
          %run_scoped3A = tpu.sem_alloc : memref<!tpu.dma_semaphore, #tpu.memory_space<semaphore_mem>>
          %dma_start3A = arith.constant 0 : i32
          %dma_start3A_53 = arith.constant 0 : i32
          %dma_start3A_54 = tpu.memref_slice %arg9[%dma_start3A, %dma_start3A_53] : memref<640x16xbf16, #tpu.memory_space<vmem>> -> memref<391x16xbf16, #tpu.memory_space<vmem>>
          %dma_start3A_55 = arith.constant 0 : i32
          %dma_start3A_56 = tpu.memref_slice %arg6[%add3A, %add3A_52, %dma_start3A_55] : memref<4x51200x16xbf16, #tpu.memory_space<hbm>> -> memref<1x391x16xbf16, #tpu.memory_space<hbm>>
          %dma_start3A_57 = tpu.memref_squeeze %dma_start3A_56 : memref<1x391x16xbf16, #tpu.memory_space<hbm>> -> memref<391x16xbf16, #tpu.memory_space<hbm>>
          %dma_start3A_58 = arith.constant 0 : i32
          %dma_start3A_59 = tpu.memref_slice %arg6[%add3A, %add3A_52, %dma_start3A_58] : memref<4x51200x16xbf16, #tpu.memory_space<hbm>> -> memref<1x391x16xbf16, #tpu.memory_space<hbm>>
          %dma_start3A_60 = tpu.memref_squeeze %dma_start3A_59 : memref<1x391x16xbf16, #tpu.memory_space<hbm>> -> memref<391x16xbf16, #tpu.memory_space<hbm>>
          %dma_start3A_61 = arith.constant 0 : i32
          %dma_start3A_62 = arith.constant 0 : i32
          %dma_start3A_63 = tpu.memref_slice %arg9[%dma_start3A_61, %dma_start3A_62] : memref<640x16xbf16, #tpu.memory_space<vmem>> -> memref<391x16xbf16, #tpu.memory_space<vmem>>
          tpu.enqueue_dma source(%dma_start3A_63 : memref<391x16xbf16, #tpu.memory_space<vmem>>) target(%dma_start3A_60 : memref<391x16xbf16, #tpu.memory_space<hbm>>) target_semaphore(%run_scoped3A : memref<!tpu.dma_semaphore, #tpu.memory_space<semaphore_mem>>)
          %dma_wait3A_64 = arith.constant 0 : i32
          %dma_wait3A_65 = arith.constant 0 : i32
          %dma_wait3A_66 = tpu.memref_slice %arg9[%dma_wait3A_64, %dma_wait3A_65] : memref<640x16xbf16, #tpu.memory_space<vmem>> -> memref<391x16xbf16, #tpu.memory_space<vmem>>
          %dma_wait3A_67 = arith.constant 0 : i32
          %dma_wait3A_68 = tpu.memref_slice %arg6[%add3A, %add3A_52, %dma_wait3A_67] : memref<4x51200x16xbf16, #tpu.memory_space<hbm>> -> memref<1x391x16xbf16, #tpu.memory_space<hbm>>
          %dma_wait3A_69 = tpu.memref_squeeze %dma_wait3A_68 : memref<1x391x16xbf16, #tpu.memory_space<hbm>> -> memref<391x16xbf16, #tpu.memory_space<hbm>>
          %dma_wait3A_70 = arith.constant 0 : i32
          %dma_wait3A_71 = tpu.memref_slice %arg6[%add3A, %add3A_52, %dma_wait3A_70] : memref<4x51200x16xbf16, #tpu.memory_space<hbm>> -> memref<1x391x16xbf16, #tpu.memory_space<hbm>>
          %dma_wait3A_72 = tpu.memref_squeeze %dma_wait3A_71 : memref<1x391x16xbf16, #tpu.memory_space<hbm>> -> memref<391x16xbf16, #tpu.memory_space<hbm>>
          %dma_wait3A_73 = arith.constant 0 : i32
          %dma_wait3A_74 = arith.constant 0 : i32
          %dma_wait3A_75 = tpu.memref_slice %arg9[%dma_wait3A_73, %dma_wait3A_74] : memref<640x16xbf16, #tpu.memory_space<vmem>> -> memref<391x16xbf16, #tpu.memory_space<vmem>>
          tpu.wait_dma2 semaphore(%run_scoped3A : memref<!tpu.dma_semaphore, #tpu.memory_space<semaphore_mem>>) src(%dma_wait3A_75 : memref<391x16xbf16, #tpu.memory_space<vmem>>) dst(%dma_wait3A_72 : memref<391x16xbf16, #tpu.memory_space<hbm>>)
          tpu.yield
        }) : () -> ()
      }
      %scan3A_45 = arith.constant 8 : i32
    }
    %scan3A_5 = arith.constant 2 : i32
    return
  }
}

module attributes {stable_mosaic.version = 14 : i64} {
  func.func @body(%arg0: i32, %arg1: memref<1024x128xf32, #tpu.memory_space<vmem>>, %arg2: memref<64x128xf32, #tpu.memory_space<vmem>>, %arg3: memref<1x64xf32, #tpu.memory_space<vmem>>, %arg4: memref<1024x64xf32, #tpu.memory_space<vmem>>) attributes {dimension_semantics = [#tpu.dimension_semantics<arbitrary>], iteration_bounds = array<i64: 50>, scalar_prefetch = 0 : i64, scratch_operands = 0 : i64, tpu.core_type = #tpu.core_type<tc>, window_params = [{transform_indices = @transform_0, window_bounds = array<i64: 1024, 128>}, {pipeline_mode = #tpu.pipeline_mode<synchronous>, transform_indices = @transform_1, window_bounds = array<i64: 64, 128>}, {pipeline_mode = #tpu.pipeline_mode<synchronous>, transform_indices = @transform_2, window_bounds = array<i64: 1, 64>}, {transform_indices = @transform_3, window_bounds = array<i64: 1024, 64>}]} {
    %get3A = arith.constant 0 : index
    %get3A_0 = arith.constant 0 : index
    %get3A_1 = vector.load %arg1[%get3A, %get3A_0] : memref<1024x128xf32, #tpu.memory_space<vmem>>, vector<1024x128xf32>
    %get3A_2 = arith.constant 0 : index
    %get3A_3 = arith.constant 0 : index
    %get3A_4 = vector.load %arg2[%get3A_2, %get3A_3] : memref<64x128xf32, #tpu.memory_space<vmem>>, vector<64x128xf32>
    %dot_general3A = arith.constant dense<0.000000e+00> : vector<1024x64xf32>
    %dot_general3A_5 = tpu.matmul %get3A_1, %get3A_4, %dot_general3A {dimension_numbers = #tpu.dot_dimension_numbers<[1], [1], [0], [0], [0, 0, 1, 0], [], []>, transpose_lhs_hint = false} : vector<1024x128xf32>, vector<64x128xf32>, vector<1024x64xf32> -> vector<1024x64xf32>
    %get3A_6 = arith.constant 0 : index
    %get3A_7 = arith.constant 0 : index
    %get3A_8 = vector.load %arg3[%get3A_6, %get3A_7] : memref<1x64xf32, #tpu.memory_space<vmem>>, vector<1x64xf32>
    %add3A = vector.broadcast %get3A_8 : vector<1x64xf32> to vector<1024x64xf32>
    %add3A_9 = arith.addf %dot_general3A_5, %add3A : vector<1024x64xf32>
    %swap3A = arith.constant 0 : index
    %swap3A_10 = arith.constant 0 : index
    %swap3A_11 = vector.load %arg4[%swap3A, %swap3A_10] : memref<1024x64xf32, #tpu.memory_space<vmem>>, vector<1024x64xf32>
    tpu.vector_store %arg4[%swap3A, %swap3A_10], %add3A_9 {strides = array<i32>} : memref<1024x64xf32, #tpu.memory_space<vmem>>, vector<1024x64xf32>,
    return
  }
  func.func @transform_0(%arg0: i32) -> (i32, i32) {
    %c0_i32 = arith.constant 0 : i32
    %c0_i32_0 = arith.constant 0 : i32
    return %arg0, %c0_i32 : i32, i32
  }
  func.func @transform_1(%arg0: i32) -> (i32, i32) {
    %c0_i32 = arith.constant 0 : i32
    %c0_i32_0 = arith.constant 0 : i32
    %c0_i32_1 = arith.constant 0 : i32
    return %c0_i32, %c0_i32_0 : i32, i32
  }
  func.func @transform_2(%arg0: i32) -> (i32, i32) {
    %c0_i32 = arith.constant 0 : i32
    %c0_i32_0 = arith.constant 0 : i32
    %c0_i32_1 = arith.constant 0 : i32
    return %c0_i32, %c0_i32_0 : i32, i32
  }
  func.func @transform_3(%arg0: i32) -> (i32, i32) {
    %c0_i32 = arith.constant 0 : i32
    %c0_i32_0 = arith.constant 0 : i32
    return %arg0, %c0_i32 : i32, i32
  }
}

module attributes {stable_mosaic.version = 14 : i64} {
  func.func @body(%arg0: i32, %arg1: memref<1x1024x16xbf16, #tpu.memory_space<vmem>>, %arg2: memref<1x1024x16xbf16, #tpu.memory_space<vmem>>, %arg3: memref<1x1024x16xbf16, #tpu.memory_space<vmem>>, %arg4: memref<1x1024x16xbf16, #tpu.memory_space<vmem>>, %arg5: memref<1024x2xf32, #tpu.memory_space<vmem>>, %arg6: memref<1024x64xf32, #tpu.memory_space<vmem>>, %arg7: memref<64x64xf32, #tpu.memory_space<vmem>>, %arg8: memref<1x64xf32, #tpu.memory_space<vmem>>, %arg9: memref<64x64xf32, #tpu.memory_space<vmem>>, %arg10: memref<1024x64xf32, #tpu.memory_space<vmem>>) attributes {dimension_semantics = [#tpu.dimension_semantics<arbitrary>], iteration_bounds = array<i64: 50>, scalar_prefetch = 0 : i64, scratch_operands = 0 : i64, tpu.core_type = #tpu.core_type<tc>, window_params = [{transform_indices = @transform_0, window_bounds = array<i64: 1, 1024, 16>}, {transform_indices = @transform_1, window_bounds = array<i64: 1, 1024, 16>}, {transform_indices = @transform_2, window_bounds = array<i64: 1, 1024, 16>}, {transform_indices = @transform_3, window_bounds = array<i64: 1, 1024, 16>}, {transform_indices = @transform_4, window_bounds = array<i64: 1024, 2>}, {transform_indices = @transform_5, window_bounds = array<i64: 1024, 64>}, {pipeline_mode = #tpu.pipeline_mode<synchronous>, transform_indices = @transform_6, window_bounds = array<i64: 64, 64>}, {pipeline_mode = #tpu.pipeline_mode<synchronous>, transform_indices = @transform_7, window_bounds = array<i64: 1, 64>}, {pipeline_mode = #tpu.pipeline_mode<synchronous>, transform_indices = @transform_8, window_bounds = array<i64: 64, 64>}, {transform_indices = @transform_9, window_bounds = array<i64: 1024, 64>}]} {
    %get3A = arith.constant 0 : index
    %get3A_0 = arith.constant 0 : index
    %get3A_1 = vector.load %arg5[%get3A, %get3A_0] : memref<1024x2xf32, #tpu.memory_space<vmem>>, vector<1024x1xf32>
    %get3A_2 = arith.constant 0 : index
    %get3A_3 = arith.constant 1 : index
    %get3A_4 = vector.load %arg5[%get3A_2, %get3A_3] : memref<1024x2xf32, #tpu.memory_space<vmem>>, vector<1024x1xf32>
    %add3A = arith.addf %get3A_1, %get3A_4 : vector<1024x1xf32>
    %max3A = arith.constant 1.000000e+00 : f32
    %max3A_5 = vector.broadcast %max3A : f32 to vector<1024x1xf32>
    %max3A_6 = arith.maximumf %add3A, %max3A_5 : vector<1024x1xf32>
    %div3A = arith.constant 1.000000e+00 : f32
    %div3A_7 = vector.broadcast %div3A : f32 to vector<1024x1xf32>
    %div3A_8 = arith.divf %div3A_7, %max3A_6 : vector<1024x1xf32>
    %get3A_9 = arith.constant 0 : index
    %get3A_10 = arith.constant 0 : index
    %get3A_11 = arith.constant 0 : index
    %get3A_12 = vector.load %arg1[%get3A_9, %get3A_10, %get3A_11] : memref<1x1024x16xbf16, #tpu.memory_space<vmem>>, vector<1x1024x16xbf16>
    %get3A_13 = vector.shape_cast %get3A_12 : vector<1x1024x16xbf16> to vector<1024x16xbf16>
    %get3A_14 = arith.constant 0 : index
    %get3A_15 = arith.constant 0 : index
    %get3A_16 = arith.constant 0 : index
    %get3A_17 = vector.load %arg2[%get3A_14, %get3A_15, %get3A_16] : memref<1x1024x16xbf16, #tpu.memory_space<vmem>>, vector<1x1024x16xbf16>
    %get3A_18 = vector.shape_cast %get3A_17 : vector<1x1024x16xbf16> to vector<1024x16xbf16>
    %get3A_19 = arith.constant 0 : index
    %get3A_20 = arith.constant 0 : index
    %get3A_21 = arith.constant 0 : index
    %get3A_22 = vector.load %arg3[%get3A_19, %get3A_20, %get3A_21] : memref<1x1024x16xbf16, #tpu.memory_space<vmem>>, vector<1x1024x16xbf16>
    %get3A_23 = vector.shape_cast %get3A_22 : vector<1x1024x16xbf16> to vector<1024x16xbf16>
    %get3A_24 = arith.constant 0 : index
    %get3A_25 = arith.constant 0 : index
    %get3A_26 = arith.constant 0 : index
    %get3A_27 = vector.load %arg4[%get3A_24, %get3A_25, %get3A_26] : memref<1x1024x16xbf16, #tpu.memory_space<vmem>>, vector<1x1024x16xbf16>
    %get3A_28 = vector.shape_cast %get3A_27 : vector<1x1024x16xbf16> to vector<1024x16xbf16>
    %concatenate3A = tpu.concatenate %get3A_13, %get3A_18, %get3A_23, %get3A_28 in 1 : vector<1024x16xbf16>, vector<1024x16xbf16>, vector<1024x16xbf16>, vector<1024x16xbf16> -> vector<1024x64xbf16>
    %convert_element_type3A = arith.extf %concatenate3A : vector<1024x64xbf16> to vector<1024x64xf32>
    %mul3A = vector.broadcast %div3A_8 : vector<1024x1xf32> to vector<1024x64xf32>
    %mul3A_29 = arith.mulf %convert_element_type3A, %mul3A : vector<1024x64xf32>
    %get3A_30 = arith.constant 0 : index
    %get3A_31 = arith.constant 0 : index
    %get3A_32 = vector.load %arg6[%get3A_30, %get3A_31] : memref<1024x64xf32, #tpu.memory_space<vmem>>, vector<1024x64xf32>
    %get3A_33 = arith.constant 0 : index
    %get3A_34 = arith.constant 0 : index
    %get3A_35 = vector.load %arg7[%get3A_33, %get3A_34] : memref<64x64xf32, #tpu.memory_space<vmem>>, vector<64x64xf32>
    %dot_general3A = arith.constant dense<0.000000e+00> : vector<1024x64xf32>
    %dot_general3A_36 = tpu.matmul %mul3A_29, %get3A_35, %dot_general3A {dimension_numbers = #tpu.dot_dimension_numbers<[1], [1], [0], [0], [0, 0, 1, 0], [], []>, transpose_lhs_hint = false} : vector<1024x64xf32>, vector<64x64xf32>, vector<1024x64xf32> -> vector<1024x64xf32>
    %get3A_37 = arith.constant 0 : index
    %get3A_38 = arith.constant 0 : index
    %get3A_39 = vector.load %arg8[%get3A_37, %get3A_38] : memref<1x64xf32, #tpu.memory_space<vmem>>, vector<1x64xf32>
    %add3A_40 = vector.broadcast %get3A_39 : vector<1x64xf32> to vector<1024x64xf32>
    %add3A_41 = arith.addf %dot_general3A_36, %add3A_40 : vector<1024x64xf32>
    %get3A_42 = arith.constant 0 : index
    %get3A_43 = arith.constant 0 : index
    %get3A_44 = vector.load %arg9[%get3A_42, %get3A_43] : memref<64x64xf32, #tpu.memory_space<vmem>>, vector<64x64xf32>
    %dot_general3A_45 = arith.constant dense<0.000000e+00> : vector<1024x64xf32>
    %dot_general3A_46 = tpu.matmul %get3A_32, %get3A_44, %dot_general3A_45 {dimension_numbers = #tpu.dot_dimension_numbers<[1], [1], [0], [0], [0, 0, 1, 0], [], []>, transpose_lhs_hint = false} : vector<1024x64xf32>, vector<64x64xf32>, vector<1024x64xf32> -> vector<1024x64xf32>
    %add3A_47 = arith.addf %add3A_41, %dot_general3A_46 : vector<1024x64xf32>
    %max3A_48 = arith.constant 0.000000e+00 : f32
    %max3A_49 = vector.broadcast %max3A_48 : f32 to vector<1024x64xf32>
    %max3A_50 = arith.maximumf %add3A_47, %max3A_49 : vector<1024x64xf32>
    %add3A_51 = arith.addf %get3A_32, %max3A_50 : vector<1024x64xf32>
    %swap3A = arith.constant 0 : index
    %swap3A_52 = arith.constant 0 : index
    %swap3A_53 = vector.load %arg10[%swap3A, %swap3A_52] : memref<1024x64xf32, #tpu.memory_space<vmem>>, vector<1024x64xf32>
    tpu.vector_store %arg10[%swap3A, %swap3A_52], %add3A_51 {strides = array<i32>} : memref<1024x64xf32, #tpu.memory_space<vmem>>, vector<1024x64xf32>,
    return
  }
  func.func @transform_0(%arg0: i32) -> (i32, i32, i32) {
    %c0_i32 = arith.constant 0 : i32
    %c0_i32_0 = arith.constant 0 : i32
    %c0_i32_1 = arith.constant 0 : i32
    return %c0_i32, %arg0, %c0_i32_0 : i32, i32, i32
  }
  func.func @transform_1(%arg0: i32) -> (i32, i32, i32) {
    %c1_i32 = arith.constant 1 : i32
    %c0_i32 = arith.constant 0 : i32
    %c0_i32_0 = arith.constant 0 : i32
    return %c1_i32, %arg0, %c0_i32 : i32, i32, i32
  }
  func.func @transform_2(%arg0: i32) -> (i32, i32, i32) {
    %c2_i32 = arith.constant 2 : i32
    %c0_i32 = arith.constant 0 : i32
    %c0_i32_0 = arith.constant 0 : i32
    return %c2_i32, %arg0, %c0_i32 : i32, i32, i32
  }
  func.func @transform_3(%arg0: i32) -> (i32, i32, i32) {
    %c3_i32 = arith.constant 3 : i32
    %c0_i32 = arith.constant 0 : i32
    %c0_i32_0 = arith.constant 0 : i32
    return %c3_i32, %arg0, %c0_i32 : i32, i32, i32
  }
  func.func @transform_4(%arg0: i32) -> (i32, i32) {
    %c0_i32 = arith.constant 0 : i32
    %c0_i32_0 = arith.constant 0 : i32
    return %arg0, %c0_i32 : i32, i32
  }
  func.func @transform_5(%arg0: i32) -> (i32, i32) {
    %c0_i32 = arith.constant 0 : i32
    %c0_i32_0 = arith.constant 0 : i32
    return %arg0, %c0_i32 : i32, i32
  }
  func.func @transform_6(%arg0: i32) -> (i32, i32) {
    %c0_i32 = arith.constant 0 : i32
    %c0_i32_0 = arith.constant 0 : i32
    %c0_i32_1 = arith.constant 0 : i32
    return %c0_i32, %c0_i32_0 : i32, i32
  }
  func.func @transform_7(%arg0: i32) -> (i32, i32) {
    %c0_i32 = arith.constant 0 : i32
    %c0_i32_0 = arith.constant 0 : i32
    %c0_i32_1 = arith.constant 0 : i32
    return %c0_i32, %c0_i32_0 : i32, i32
  }
  func.func @transform_8(%arg0: i32) -> (i32, i32) {
    %c0_i32 = arith.constant 0 : i32
    %c0_i32_0 = arith.constant 0 : i32
    %c0_i32_1 = arith.constant 0 : i32
    return %c0_i32, %c0_i32_0 : i32, i32
  }
  func.func @transform_9(%arg0: i32) -> (i32, i32) {
    %c0_i32 = arith.constant 0 : i32
    %c0_i32_0 = arith.constant 0 : i32
    return %arg0, %c0_i32 : i32, i32
  }
}

module attributes {stable_mosaic.version = 14 : i64} {
  func.func @body(%arg0: i32, %arg1: memref<1024x64xf32, #tpu.memory_space<vmem>>, %arg2: memref<40x64xf32, #tpu.memory_space<vmem>>, %arg3: memref<1x40xf32, #tpu.memory_space<vmem>>, %arg4: memref<1024x40xf32, #tpu.memory_space<vmem>>) attributes {dimension_semantics = [#tpu.dimension_semantics<arbitrary>], iteration_bounds = array<i64: 50>, scalar_prefetch = 0 : i64, scratch_operands = 0 : i64, tpu.core_type = #tpu.core_type<tc>, window_params = [{transform_indices = @transform_0, window_bounds = array<i64: 1024, 64>}, {pipeline_mode = #tpu.pipeline_mode<synchronous>, transform_indices = @transform_1, window_bounds = array<i64: 40, 64>}, {pipeline_mode = #tpu.pipeline_mode<synchronous>, transform_indices = @transform_2, window_bounds = array<i64: 1, 40>}, {transform_indices = @transform_3, window_bounds = array<i64: 1024, 40>}]} {
    %get3A = arith.constant 0 : index
    %get3A_0 = arith.constant 0 : index
    %get3A_1 = vector.load %arg1[%get3A, %get3A_0] : memref<1024x64xf32, #tpu.memory_space<vmem>>, vector<1024x64xf32>
    %get3A_2 = arith.constant 0 : index
    %get3A_3 = arith.constant 0 : index
    %get3A_4 = vector.load %arg2[%get3A_2, %get3A_3] : memref<40x64xf32, #tpu.memory_space<vmem>>, vector<40x64xf32>
    %dot_general3A = arith.constant dense<0.000000e+00> : vector<1024x40xf32>
    %dot_general3A_5 = tpu.matmul %get3A_1, %get3A_4, %dot_general3A {dimension_numbers = #tpu.dot_dimension_numbers<[1], [1], [0], [0], [0, 0, 1, 0], [], []>, transpose_lhs_hint = false} : vector<1024x64xf32>, vector<40x64xf32>, vector<1024x40xf32> -> vector<1024x40xf32>
    %get3A_6 = arith.constant 0 : index
    %get3A_7 = arith.constant 0 : index
    %get3A_8 = vector.load %arg3[%get3A_6, %get3A_7] : memref<1x40xf32, #tpu.memory_space<vmem>>, vector<1x40xf32>
    %add3A = vector.broadcast %get3A_8 : vector<1x40xf32> to vector<1024x40xf32>
    %add3A_9 = arith.addf %dot_general3A_5, %add3A : vector<1024x40xf32>
    %swap3A = arith.constant 0 : index
    %swap3A_10 = arith.constant 0 : index
    %swap3A_11 = vector.load %arg4[%swap3A, %swap3A_10] : memref<1024x40xf32, #tpu.memory_space<vmem>>, vector<1024x40xf32>
    tpu.vector_store %arg4[%swap3A, %swap3A_10], %add3A_9 {strides = array<i32>} : memref<1024x40xf32, #tpu.memory_space<vmem>>, vector<1024x40xf32>,
    return
  }
  func.func @transform_0(%arg0: i32) -> (i32, i32) {
    %c0_i32 = arith.constant 0 : i32
    %c0_i32_0 = arith.constant 0 : i32
    return %arg0, %c0_i32 : i32, i32
  }
  func.func @transform_1(%arg0: i32) -> (i32, i32) {
    %c0_i32 = arith.constant 0 : i32
    %c0_i32_0 = arith.constant 0 : i32
    %c0_i32_1 = arith.constant 0 : i32
    return %c0_i32, %c0_i32_0 : i32, i32
  }
  func.func @transform_2(%arg0: i32) -> (i32, i32) {
    %c0_i32 = arith.constant 0 : i32
    %c0_i32_0 = arith.constant 0 : i32
    %c0_i32_1 = arith.constant 0 : i32
    return %c0_i32, %c0_i32_0 : i32, i32
  }
  func.func @transform_3(%arg0: i32) -> (i32, i32) {
    %c0_i32 = arith.constant 0 : i32
    %c0_i32_0 = arith.constant 0 : i32
    return %arg0, %c0_i32 : i32, i32
  }
}

</mosaic_0001>

<sc_bundles>
// kernel: closed_call.9.cloned.1.call-start
scs
__scs_entry_jumppad:
0x0: {  	(pc) =	sbr.rel $0x88, $3  }
0x1: {  	(tag) =	ssettag $0x0;
	lr =	simm.s32 $0x1  }
0x2: {  	[smem:$0x3F8F] =	sst lr;
	_ =	strace $0xD0000000  }
0x3: {  	_ = 	snop  }
0x4: {  	_ = 	snop  }
0x5: {  	_ = 	snop  }
0x6: {  	_ = 	snop  }
0x7: {  	_ = 	snop  }
__scs_overlays_trampoline_lowered:
0x8: {  	[smem:$0x3F9E] =	sst s0  }
0x9: {  	[smem:$0x3F9F] =	sst s1  }
0xa: {  	[smem:$0x3FA0] =	sst s2  }
0xb: {  	[smem:$0x3FA1] =	sst s3  }
0xc: {  	[smem:$0x3FA2] =	sst s4  }
0xd: {  	[smem:$0x3FA3] =	sst s5  }
0xe: {  	[smem:$0x3FA4] =	sst s6  }
0xf: {  	[smem:$0x3FA5] =	sst s7  }
0x10: {  	[smem:$0x3FA6] =	sst s8  }
0x11: {  	[smem:$0x3FA7] =	sst s9;
	s0 =	simm.s32 @!p0 $0x0  }
0x12: {  	s1 =	sld [smem:$0x3F8D];
	s0 =	simm.s32 @p0 $0x1  }
0x13: {  	[smem:$0x3FA8] =	sst s0;
	s0 =	simm.s32 @!p1 $0x0  }
0x14: {  	s2 =	sld [smem:$0x3F8C];
	s0 =	simm.s32 @p1 $0x1  }
0x15: {  	[smem:$0x3FA9] =	sst s0;
	s0 =	simm.s32 @!p2 $0x0  }
0x16: {  	s3 =	sld [smem:$0x3FDB];
	s0 =	simm.s32 @p2 $0x1  }
0x17: {  	s4 =	simm.s32 $0x1BF5;
	[smem:$0x3FAB] =	sst s0  }
0x18: {  	s0 =	sld [smem:$0x3F8E];
	_ =	swait.ge [sflag:s4], $0x0  }
0x19: {  	s7 =	sld [smem:$0x3F8F]  }
0x1a: {  	s8 =	sadd.s32 $0xFFFFE003, lr  }
0x1b: {  	s9 =	sadd.s32 $0xFFFFFEF7, lr;
	s5 =	simm.s32 $0xFFFFFFFF;
	p2 =	slt.u32 s8, $0xFFFFF086  }
0x1c: {  	p1 =	slt.u32 s9, $0xF7A;
	s5 =	simm.s32 @!p2 $0x0  }
0x1d: {  	s5 =	simm.s32 @p1 $0x1;
	p0 =	seq.s32 s7, s2  }
0x1e: {  	s7 =	smul.u32 @!p0 $0xF7A, s2;
	p2 =	seq.s32 @!p0 s5, $0x0  }
0x1f: {  	s9 =	smul.u32 $0xF7A, s1;
	s8 =	simm.s32 @!p0 $0x1BF5;
	p2 =	por !p2, p0  }
0x20: {  	[sflag:s8] =	ssyncset.s32 @!p0 $0xFFFFF086;
	s6 =	sadd.s32 @!p0 s3, s7;
	s7 =	simm.s32 @!p0 $0x108  }
0x21: {  	s3 =	sadd.s32 s3, s9;
	s6 =	sadd.s32 @!p0 $0x88, s6;
	s7 =	simm.s32 @p2 $0x1082  }
0x22: {  	[simem:s7], [sflag:s8] =	dma.local @!p0 [hbm:s6], $0xF7A  }
0x23: {  	s9 =	sor.u32 $0xD0000000, s2;
	s6 =	simm.s32 $0x108;
	_ =	swait.ge @!p0 [sflag:s8], $0x0  }
0x24: {  	s3 =	sadd.s32 $0x88, s3;
	s6 =	simm.s32 @!p1 $0x1082;
	[sflag:s4] =	ssyncset.s32 $0xFFFFF086  }
0x25: {  	[simem:s6], [sflag:s4] =	dma.local [hbm:s3], $0xF7A  }
0x26: {  	[smem:$0x3F8F] =	sst s1;
	(tag) =	ssettag s2;
	_ =	strace s9  }
0x27: {  	s1 =	sld [smem:$0x3F9F]  }
0x28: {  	s2 =	sld [smem:$0x3FA0]  }
0x29: {  	s4 =	sld [smem:$0x3FA2]  }
0x2a: {  	p0 =	seq.s32 s5, $0x0;
	s5 =	sld [smem:$0x3FA3]  }
0x2b: {  	s6 =	sld [smem:$0x3FA4]  }
0x2c: {  	s7 =	sld [smem:$0x3FA5]  }
0x2d: {  	s3 =	simm.s32 $0x108;
	s8 =	sld [smem:$0x3FA6]  }
0x2e: {  	s3 =	simm.s32 @!p0 $0x1082;
	s9 =	sld [smem:$0x3FA7]  }
0x2f: {  	lr =	sadd.s32 s0, s3;
	s0 =	sld [smem:$0x3F9E]  }
0x30: {  	s3 =	sld [smem:$0x3FA1]  }
0x31: {  	[smem:$0x3FAA] =	sst s10  }
0x32: {  	s10 =	sld [smem:$0x3FA8];
	_ =	sdelay $0x3  }
0x33: {  	p0 =	seq.s32 s10, $0x1;
	s10 =	sld [smem:$0x3FAA];
	_ =	sdelay $0x3  }
0x34: {  	[smem:$0x3FAA] =	sst s10  }
0x35: {  	s10 =	sld [smem:$0x3FA9];
	_ =	sdelay $0x3  }
0x36: {  	p1 =	seq.s32 s10, $0x1;
	s10 =	sld [smem:$0x3FAA];
	_ =	sdelay $0x3  }
0x37: {  	[smem:$0x3FAA] =	sst s10  }
0x38: {  	s10 =	sld [smem:$0x3FAB]  }
0x39: {  	_ = 	snop;
	(pc) =	sbr.ind lr, $3  }
0x3a: {  	_ = 	snop  }
0x3b: {  	_ = 	snop  }
0x3c: {  	p2 =	seq.s32 s10, $0x1;
	s10 =	sld [smem:$0x3FAA]  }
0x3d: {  	_ =	shalt  }
0x3e: {  	_ =	shalt  }
0x3f: {  	_ =	shalt  }
0x40: {  	_ =	shalt  }
0x41: {  	_ =	shalt  }
0x42: {  	_ =	shalt  }
0x43: {  	_ =	shalt  }
0x44: {  	_ =	shalt  }
0x45: {  	_ =	shalt  }
0x46: {  	_ =	shalt  }
0x47: {  	_ =	shalt  }
0x48: {  	_ =	shalt  }
0x49: {  	_ =	shalt  }
0x4a: {  	_ =	shalt  }
0x4b: {  	_ =	shalt  }
0x4c: {  	_ =	shalt  }
0x4d: {  	_ =	shalt  }
0x4e: {  	_ =	shalt  }
0x4f: {  	_ =	shalt  }
0x50: {  	_ =	shalt  }
0x51: {  	_ =	shalt  }
0x52: {  	_ =	shalt  }
0x53: {  	_ =	shalt  }
0x54: {  	_ =	shalt  }
0x55: {  	_ =	shalt  }
0x56: {  	_ =	shalt  }
0x57: {  	_ =	shalt  }
0x58: {  	_ =	shalt  }
0x59: {  	_ =	shalt  }
0x5a: {  	_ =	shalt  }
0x5b: {  	_ =	shalt  }
0x5c: {  	_ =	shalt  }
0x5d: {  	_ =	shalt  }
0x5e: {  	_ =	shalt  }
0x5f: {  	_ =	shalt  }
0x60: {  	_ =	shalt  }
0x61: {  	_ =	shalt  }
0x62: {  	_ =	shalt  }
0x63: {  	_ =	shalt  }
0x64: {  	_ =	shalt  }
0x65: {  	_ =	shalt  }
0x66: {  	_ =	shalt  }
0x67: {  	_ =	shalt  }
0x68: {  	_ =	shalt  }
0x69: {  	_ =	shalt  }
0x6a: {  	_ =	shalt  }
0x6b: {  	_ =	shalt  }
0x6c: {  	_ =	shalt  }
0x6d: {  	_ =	shalt  }
0x6e: {  	_ =	shalt  }
0x6f: {  	_ =	shalt  }
0x70: {  	_ =	shalt  }
0x71: {  	_ =	shalt  }
0x72: {  	_ =	shalt  }
0x73: {  	_ =	shalt  }
0x74: {  	_ =	shalt  }
0x75: {  	_ =	shalt  }
0x76: {  	_ =	shalt  }
0x77: {  	_ =	shalt  }
0x78: {  	_ =	shalt  }
0x79: {  	_ =	shalt  }
0x7a: {  	_ =	shalt  }
0x7b: {  	_ =	shalt  }
0x7c: {  	_ =	shalt  }
0x7d: {  	_ =	shalt  }
0x7e: {  	_ =	shalt  }
0x7f: {  	_ =	shalt  }
0x80: {  	_ =	shalt  }
0x81: {  	_ =	shalt  }
0x82: {  	_ =	shalt  }
0x83: {  	_ =	shalt  }
0x84: {  	_ =	shalt  }
0x85: {  	_ =	shalt  }
0x86: {  	_ =	shalt  }
0x87: {  	_ =	shalt  }
.Lfunc_end0:
.L_simem_size_0:
called_computation_lowered:
.L_overlay_start_0:
0x88: {  	s2 =	sld [smem:$0x3FD9]  }
0x89: {  	s3 =	sld [smem:$0x3FFE];
	_ =	sdelay $0x1  }
0x8a: {  	s1 =	srdreg.scid  }
0x8b: {  	s0 =	sand.u32 $0x1, s1  }
0x8c: {  	s17 =	sshll.u32 s0, $0xA;
	s2 =	sadd.s32 s3, s2  }
0x8d: {  	s2 =	sadd.s32 s2, s17  }
0x8e: {  	[smem:$0x3FB6] =	sst s2  }
0x8f: {  	_ = 	snop  }
0x90: {  	s2 =	sld [smem:$0x3FD0];
	(tm) =	ssettm $0x1  }
0x91: {  	s18 =	sld [smem:$0x3FFB];
	_ =	sdelay $0x3  }
0x92: {  	_ =	strace s18  }
0x93: {  	s3 =	sld [smem:$0x3FFC];
	_ =	sdelay $0x3  }
0x94: {  	_ =	strace s3  }
0x95: {  	s3 =	sld [smem:$0x3FFD];
	_ =	sdelay $0x3  }
0x96: {  	_ =	strace s3  }
0x97: {  	_ =	strace $0x8FFFFFFF  }
0x98: {  	s19 =	sld [smem:$0x3FDB];
	_ =	sdelay $0x1  }
0x99: {  	s4 =	simm.s32 $_scs_section_size  }
0x9a: {  	s5 =	simm.s32 $_size__tile_overlayer_lowered;
	s6 =	simm.s32 $_tile_overlayer_lowered  }
0x9b: {  	s22 =	simm.s32 $0x1BFF;
	s21 =	sshll.u32 s6, $0x1;
	s3 =	sadd.s32 s4, s19  }
0x9c: {  	s7 =	simm.s32 $0x0;
	s20 =	sshll.u32 s5, $0x1;
	s5 =	sadd.s32 s21, s3  }
0x9d: {  	[timem:s7], [sflag:s22] =	dma.local [hbm:s5], s20  }
0x9e: {  	_ =	swait.ge [sflag:s22], s20  }
0x9f: {  	s4 =	ssub.s32 $0x0, s20;
	[sflag:s22] =	ssyncset.done $0x0  }
0xa0: {  	[sflag:s22] =	ssyncadd.s32 s4;
	_ =	sdelay $0x1  }
0xa1: {  	s23 =	simm.s32 $0x1B8B  }
0xa2: {  	_ =	swait.ge [sflag:s23], $0x1  }
0xa3: {  	[sflag:s23] =	ssyncset.done $0x0  }
0xa4: {  	s25 =	simm.s32 $0x1B8E;
	s24 =	sld [smem:$0x3FFE];
	[sflag:s23] =	ssyncadd.s32 $0xFFFFFFFF  }
0xa5: {  	s26 =	simm.s32 $execute0_lowered;
	[smem:$0x3FD2] =	sst s25  }
0xa6: {  	s5 =	sshll.u32 s26, $0x1;
	_ =	strace $0x80000049;
	[dreg:$0x1] =	wrdreg $0xFFFFFFFF  }
0xa7: {  	s28 =	simm.s32 $_size_execute0_lowered;
	s3 =	sadd.s32 s3, s5;
	[dreg:$0x0] =	wrdreg $0x0  }
0xa8: {  	s5 =	sshll.u32 s28, $0x1;
	[dreg:$0x2] =	wrdreg s3  }
0xa9: {  	[dreg:$0x3] =	wrdreg s5  }
0xaa: {  	[dreg:$0x4] =	wrdreg $0xC0  }
0xab: {  	_ =	task [dreg:s7], $0x5FFFF  }
0xac: {  	[dreg:$0x1] =	wrdreg $0xFFFFFFFF  }
0xad: {  	[dreg:$0x0] =	wrdreg $0x60  }
0xae: {  	[dreg:$0x2] =	wrdreg s2  }
0xaf: {  	[dreg:$0x3] =	wrdreg s24  }
0xb0: {  	[dreg:$0x4] =	wrdreg $0x19C000  }
0xb1: {  	[dreg:$0x5] =	wrdreg $0x9  }
0xb2: {  	_ =	task.clear_ibuf [dreg:s7], $0x6FFFF;
	_ =	strace $0x90000049  }
0xb3: {  	s29 =	simm.s32 $0x9;
	_ =	strace $0x8000004B  }
0xb4: {  	_ =	swait.ge [sflag:s29], $0x1  }
0xb5: {  	[sflag:s29] =	ssyncadd.s32 $0xFFFFFFFF  }
0xb6: {  	_ =	strace $0x9000004B  }
0xb7: {  	_ =	sfence  }
0xb8: {  	s30 =	sld [smem:$0x0];
	_ =	sdelay $0x2  }
0xb9: {  	s31 =	sshll.u32 s1, $0xD;
	s1 =	sshrl.u32 s1, $0x2  }
0xba: {  	s3 =	sand.u32 $0x4000, s31;
	s1 =	sadd.s32 s1, s30  }
0xbb: {  	s0 =	sor.u32 s3, s0;
	s1 =	sshll.u32 s1, $0x11  }
0xbc: {  	s0 =	sor.u32 s1, s0  }
0xbd: {  	s0 =	sadd.s32 $0x8F2B, s0  }
0xbe: {  	[sflag:s0] =	ssyncadd.remote.s32 $0x1  }
0xbf: {  	_ =	sfence.sel $0xFFFF  }
0xc0: {  	[dreg:$0x0] =	wrdreg $0xFFFFFFFF;
	(pc) =	sbr.abs _section_cstart, $3  }
0xc1: {  	[dreg:$0x1] =	wrdreg $0xFFFFFFFF  }
0xc2: {  	_ =	task.clear_ibuf [dreg:s7], $0x2FFFF;
	_ =	strace $0x9FFFFFFF  }
0xc3: {  	(tm) =	ssettm $0x7FFFFFFF  }
tec
execute0_lowered:
.L_overlay_start_1:
0x0: {  	(tag) =	ssettag $0x1  }
0x1: {  	s2 =	rddreg [dreg:$0x0]  }
0x2: {  	s0 =	rddreg [dreg:$0x1]  }
0x3: {  	s3 =	rddreg [dreg:$0x2];
	s7 =	stileid.u32  }
0x4: {  	s4 =	simm.s32 $0x0;
	s5 =	srdreg.scid;
	s30 =	simm.s32 $0xB  }
0x5: {  	s31 =	simm.s32 $0x80;
	s10 =	simm.s32 $0x7;
	s1 =	smul.u32 $0xC400, s7  }
0x6: {  	[smem:$0x7FF] =	sst s4;
	s6 =	sadd.s32 $0x1D600, s0;
	s12 =	sadd.s32 $0x7F600, s0  }
0x7: {  	s8 =	smul.u32 $0xC38, s7;
	_ =	strace $0x8000004A;
	[dreg:$0x5] =	wrdreg s6  }
0x8: {  	s5 =	sand.u32 $0x1, s5;
	s7 =	smul.u32 $0x18700, s7;
	[dreg:$0x6] =	wrdreg s12  }
0x9: {  	s13 =	ssub.s32 $0x2, s5;
	s16 =	sshll.u32 s5, $0x1;
	[dreg:$0x4] =	wrdreg s1  }
0xa: {  	s1 =	sshrl.u32 s1, $0x3;
	s14 =	sshrl.u32 s13, $0x1;
	s15 =	sadd.s32 $0x187, s8  }
0xb: {  	[dreg:$0xa] =	wrdreg s16;
	s17 =	sshrl.u32 s7, $0x2;
	s20 =	sadd.s32 $0x30E, s8  }
0xc: {  	s21 =	sadd.s32 $0x495, s8;
	s22 =	sadd.s32 $0x61C, s8;
	[dreg:$0x13] =	wrdreg s8  }
0xd: {  	s25 =	sadd.s32 $0x7A3, s8;
	s26 =	sadd.s32 $0x92A, s8;
	[dreg:$0x9] =	wrdreg s15  }
0xe: {  	s29 =	sadd.s32 $0xAB1, s8;
	s1 =	sadd.s32 s1, s0;
	[dreg:$0xd] =	wrdreg s20  }
0xf: {  	s0 =	sadd.s32 $0x80400, s0;
	s18 =	sshll.u32 s15, $0x3;
	[dreg:$0xe] =	wrdreg s21  }
0x10: {  	[dreg:$0xf] =	wrdreg s22;
	s5 =	sshll.u32 s22, $0x3;
	s22 =	smov.u32 s29  }
0x11: {  	[dreg:$0x7] =	wrdreg s0;
	s0 =	ssub.s32 s13, s14;
	s1 =	sadd.s32 $0x4C00, s1  }
0x12: {  	s13 =	sadd.s32 s17, s3;
	s19 =	sadd.s32 s18, s3;
	[dreg:$0x8] =	wrdreg s1  }
0x13: {  	s24 =	sadd.s32 s5, s3;
	s5 =	sshll.u32 s29, $0x3;
	[dreg:$0xc] =	wrdreg s19  }
0x14: {  	s0 =	smax.u32 s0, $0x1;
	s1 =	sshll.u32 s21, $0x3;
	[dreg:$0x12] =	wrdreg s24  }
0x15: {  	s24 =	smov.u32 s26;
	s28 =	sadd.s32 s5, s3;
	s5 =	simm.s32 $0x0  }
0x16: {  	[dreg:$0xb] =	wrdreg s0;
	s0 =	sshll.u32 s20, $0x3;
	s23 =	sadd.s32 s1, s3  }
0x17: {  	s1 =	sshll.u32 s26, $0x3;
	s0 =	sadd.s32 s0, s3;
	[dreg:$0x11] =	wrdreg s23  }
0x18: {  	s23 =	smov.u32 s25;
	[dreg:$0x10] =	wrdreg s0;
	s0 =	sshll.u32 s25, $0x3  }
0x19: {  	s26 =	sadd.s32 s1, s3;
	s25 =	sadd.s32 s0, s3;
	s0 =	simm.s32 $0x18800  }
.LBB2_1:
0x1a: {  	[dreg:$0x14] =	wrdreg s5  }
0x1b: {  	s1 =	rddreg [dreg:$0x8];
	s21 =	simm.s32 $0xC400  }
0x1c: {  	[tilespmem:s21], [sflag:$0xB] =	stream.linear.gather [hbm4b:s1+s4], $0xC400, $0x38;
	[tilespmem:$0x1FDC0] =	vst v63  }
0x1d: {  	s29 =	stileid.u32;
	_ =	swait.ge [sflag:s30], $0xC400  }
0x1e: {  	p4 =	por $0x1, $0x1;
	s1 =	sshll.u32 s29, $0x6;
	[sflag:s30] =	ssyncset.done $0x0  }
0x1f: {  	s14 =	sor.u32 $0x1C0B, s1;
	s1 =	simm.s32 $0x0;
	[sflag:s30] =	ssyncadd.s32 $0xFFFF3C00  }
.LBB2_2:
0x20: {  	s5 =	rddreg [dreg:$0xa]  }
0x21: {  	s21 =	sshrl.u32 s13, $0x3;
	s7 =	rddreg [dreg:$0x6]  }
0x22: {  	s9 =	simm.s32 $0x0;
	s11 =	simm.s32 $0x18C00;
	s12 =	simm.s32 $0x100  }
0x23: {  	s15 =	simm.s32 $0x19000;
	s17 =	simm.s32 $0x180;
	s18 =	simm.s32 $0x19400  }
0x24: {  	s29 =	simm.s32 $0x1;
	p0 =	por $0x1, $0x1;
	s1 =	sor.u32 s5, s1  }
0x25: {  	[spmem:s21], [sflag:s14] =	dma.local [hbm:s7], $0xC38  }
0x26: {  	p5 =	por $0x0, $0x0;
	s6 =	smul.u32 $0xC4000, s1;
	_ =	swait.ge [sflag:s30], $0xC38  }
0x27: {  	s16 =	smul.u32 $0xCCCD, s9;
	p1 =	por @!p0 $0x0, $0x0;
	s7 =	rddreg [dreg:$0x4]  }
0x28: {  	p2 =	por p1, p0;
	p1 =	por p0, p0;
	s5 =	sadd.s32 s7, s6  }
0x29: {  	[sflag:s30] =	ssyncset.done $0x0;
	s8 =	rddreg [dreg:$0x5];
	s5 =	sshrl.u32 s5, $0x3  }
0x2a: {  	p0 =	por @!p5 $0x0, $0x0;
	[sflag:s30] =	ssyncadd.s32 $0xFFFFF3C8;
	s5 =	sadd.s32 s8, s5  }
0x2b: {  	[tilespmem:s9], [sflag:$0xB] =	stream.linear.gather [hbm4b:s5+s9], $0xC400, $0x38;
	[tilespmem:$0x1FDC0] =	vst v63  }
0x2c: {  	s19 =	sadd.s32 $0x33334, s16;
	p3 =	por p0, p5;
	_ =	swait.ge [sflag:s30], $0xC400  }
0x2d: {  	p0 =	por p4, p4;
	s7 =	sshrl.u32 s16, $0x12;
	[sflag:s30] =	ssyncset.done $0x0  }
0x2e: {  	s7 =	smul.u32 $0x5, s7;
	s5 =	sshrl.u32 s19, $0x12;
	[sflag:s30] =	ssyncadd.s32 $0xFFFF3C00  }
0x2f: {  	s6 =	simm.s32 $0x200;
	s5 =	smul.u32 $0x5, s5;
	[bflag:$0x0] =	sbarrier.arrive $0xFFFF  }
0x30: {  	[tilespmem:s0], [sflag:$0x1] =	stream.indirect.gather [hbm4b:s2+s31], $0x8, s9, s31, $0xb8;
	[tilespmem:$0x1FDC0] =	vst v63  }
0x31: {  	s8 =	simm.s32 $0x19800;
	s7 =	ssub.s32 $0x0, s7;
	s5 =	ssub.s32 $0x0, s5  }
0x32: {  	[tilespmem:s11], [sflag:$0x2] =	stream.indirect.gather [hbm4b:s2+s31], $0x8, s31, s31, $0xb8;
	[tilespmem:$0x1FDC0] =	vst v63  }
0x33: {  	s7 =	sand.u32 $0xFFFF, s7;
	s20 =	sadd.s32 $0x4, s5;
	s5 =	smul.u32 $0xCCCD, s29  }
0x34: {  	[tilespmem:s15], [sflag:$0x3] =	stream.indirect.gather [hbm4b:s2+s31], $0x8, s12, s31, $0xb8;
	[tilespmem:$0x1FDC0] =	vst v63  }
0x35: {  	s9 =	simm.s32 $0x2;
	s21 =	sadd.s32 $0x33334, s5;
	s11 =	sshll.u32 s7, $0xA  }
0x36: {  	[tilespmem:s18], [sflag:$0x4] =	stream.indirect.gather [hbm4b:s2+s31], $0x8, s17, s31, $0xb8;
	[tilespmem:$0x1FDC0] =	vst v63  }
0x37: {  	s16 =	sadd.s32 $0x18800, s11;
	s12 =	simm.s32 $0xC400;
	s18 =	sand.u32 $0xFFFF, s20  }
0x38: {  	[tilespmem:s8], [sflag:$0x5] =	stream.indirect.gather [hbm4b:s2+s31], $0x8, s6, s31, $0xb8;
	[tilespmem:$0x1FDC0] =	vst v63  }
0x39: {  	s15 =	sadd.s32 $0x1, s7;
	s17 =	sshll.u32 @!p2 s18, $0xA;
	s8 =	sshrl.u32 s21, $0x12  }
0x3a: {  	p2 =	por p2, p2;
	s8 =	smul.u32 $0x5, s8;
	_ =	swait.ge [sflag:s15], $0x400  }
0x3b: {  	s7 =	sadd.s32 $0x6, s7;
	s17 =	sadd.s32 @!p2 $0x18800, s17;
	[sflag:s15] =	ssyncset.done $0x0  }
0x3c: {  	s8 =	ssub.s32 $0x1, s8;
	[sflag:s15] =	ssyncadd.s32 $0xFFFFFC00;
	s15 =	simm.s32 @!p2 $0x80  }
0x3d: {  	[spmem:s3] =	stream.indirect.scatter.add.bf16 [tilespmem:s16], [sflag:s7], $0x8, s12, s31, $0xb8;
	[tilespmem:$0x1FDC0] =	vst v63  }
0x3e: {  	s8 =	sadd.s32 $0x4, s8;
	s16 =	sadd.s32 @!p1 $0x6, s18;
	s7 =	simm.s32 $0x280  }
0x3f: {  	s18 =	sadd.s32 @!p2 $0x1, s18;
	s11 =	sand.u32 $0xFFFF, s8;
	_ =	swait.ge @!p1 [sflag:s16], $0x400  }
0x40: {  	s8 =	simm.s32 $0xC480;
	s12 =	sshll.u32 @!p3 s11, $0xA;
	[sflag:s16] =	ssyncset.done @!p1 $0x0  }
.LBB2_3:
0x41: {  	s19 =	smul.u32 $0xCCCD, s9  }
0x42: {  	[sflag:s16] =	ssyncadd.s32 @!p1 $0xFFFFFC00;
	s16 =	smov.u32 s9;
	s9 =	sadd.s32 $0x1, s9  }
0x43: {  	s20 =	smov.u32 s8;
	s21 =	smov.u32 s11;
	p1 =	por p5, p5  }
0x44: {  	[tilespmem:s17], [sflag:s18] =	stream.indirect.gather @!p2 [hbm4b:s2+s15], $0x8, s6, s15, $0xb8;
	[tilespmem:$0x1FDC0] =	vst v63  }
0x45: {  	p4 =	sne.s32 s9, $0x188;
	s6 =	sshrl.u32 s5, $0x12;
	s5 =	smov.u32 s19  }
0x46: {  	s17 =	smov.u32 s12;
	s15 =	smul.u32 $0x5, s6;
	s11 =	sadd.s32 $0x33334, s5  }
0x47: {  	p2 =	por p3, p3;
	s6 =	smov.u32 s7;
	s11 =	sshrl.u32 s11, $0x12  }
0x48: {  	s12 =	ssub.s32 s29, s15;
	s29 =	smov.u32 s16;
	s11 =	smul.u32 $0x5, s11  }
0x49: {  	s8 =	sadd.s32 $0x80, s8;
	s12 =	sand.u32 $0xFFFF, s12;
	p5 =	seq.s32 s29, $0x0  }
0x4a: {  	s15 =	sshll.u32 s12, $0xA;
	s16 =	sadd.s32 $0x1, s12;
	s11 =	ssub.s32 s29, s11  }
0x4b: {  	p3 =	sgt.u32 @!p5 s29, $0x183;
	s15 =	sadd.s32 $0x18800, s15;
	s11 =	sadd.s32 $0x4, s11  }
0x4c: {  	s18 =	sadd.s32 $0x6, s12;
	s11 =	sand.u32 $0xFFFF, s11;
	_ =	swait.ge [sflag:s16], $0x400  }
.Ltmp0:
0x4d: {  	p3 =	por p3, p5;
	[sflag:s16] =	ssyncset.done $0x0;
	(pc) =	sbr.rel @p4 .LBB2_3-.Ltmp0, $4  }
0x4e: {  	s12 =	sshll.u32 @!p3 s11, $0xA;
	[sflag:s16] =	ssyncadd.s32 $0xFFFFFC00;
	s16 =	sadd.s32 @!p1 $0x6, s21  }
0x4f: {  	[spmem:s3] =	stream.indirect.scatter.add.bf16 [tilespmem:s15], [sflag:s18], $0x8, s20, s31, $0xb8;
	[tilespmem:$0x1FDC0] =	vst v63  }
0x50: {  	s7 =	sadd.s32 $0x80, s7;
	s15 =	simm.s32 @!p2 $0x80;
	_ =	swait.ge @!p1 [sflag:s16], $0x400  }
0x51: {  	s17 =	sadd.s32 @!p2 $0x18800, s17;
	s18 =	sadd.s32 @!p2 $0x1, s21;
	[sflag:s16] =	ssyncset.done @!p1 $0x0  }
0x52: {  	s5 =	sshrl.u32 s5, $0x12  }
0x53: {  	[sflag:s16] =	ssyncadd.s32 @!p1 $0xFFFFFC00;
	s5 =	smul.u32 $0x5, s5  }
0x54: {  	[tilespmem:s17], [sflag:s18] =	stream.indirect.gather @!p2 [hbm4b:s2+s15], $0x8, s6, s15, $0xb8;
	[tilespmem:$0x1FDC0] =	vst v63  }
0x55: {  	s5 =	ssub.s32 s29, s5  }
0x56: {  	s5 =	sand.u32 $0xFFFF, s5  }
0x57: {  	s21 =	sadd.s32 $0x1, s5  }
0x58: {  	_ =	swait.ge [sflag:s21], $0x400  }
0x59: {  	p1 =	por p5, p5;
	s9 =	sshll.u32 s5, $0xA;
	[sflag:s21] =	ssyncset.done $0x0  }
0x5a: {  	s5 =	sadd.s32 $0x6, s5;
	s29 =	sadd.s32 $0x18800, s9;
	[sflag:s21] =	ssyncadd.s32 $0xFFFFFC00  }
0x5b: {  	[spmem:s3] =	stream.indirect.scatter.add.bf16 [tilespmem:s29], [sflag:s5], $0x8, s8, s31, $0xb8;
	[tilespmem:$0x1FDC0] =	vst v63  }
0x5c: {  	s5 =	sadd.s32 @!p1 $0x6, s11  }
0x5d: {  	p2 =	por p3, p3;
	_ =	swait.ge @!p1 [sflag:s5], $0x400  }
0x5e: {  	s6 =	sadd.s32 @!p2 $0x18800, s12;
	[sflag:s5] =	ssyncset.done @!p1 $0x0  }
0x5f: {  	s8 =	sadd.s32 @!p2 $0x1, s11;
	[sflag:s5] =	ssyncadd.s32 @!p1 $0xFFFFFC00;
	s5 =	simm.s32 @!p2 $0x80  }
0x60: {  	[tilespmem:s6], [sflag:s8] =	stream.indirect.gather @!p2 [hbm4b:s2+s5], $0x8, s7, s5, $0xb8;
	[tilespmem:$0x1FDC0] =	vst v63  }
0x61: {  	_ =	swait.ge [sflag:s10], $0x400  }
0x62: {  	[sflag:s10] =	ssyncset.done $0x0  }
0x63: {  	[sflag:s10] =	ssyncadd.s32 $0xFFFFFC00  }
0x64: {  	[bflag:$0x0] =	sbarrier.arrive $0xFFFF  }
0x65: {  	[tilespmem:s0], [sflag:$0xB] =	stream.linear.gather [spmem:s13], $0xC38, $0x38;
	[tilespmem:$0x1FDC0] =	vst v63  }
0x66: {  	s1 =	smul.u32 $0xC800, s1;
	_ =	swait.ge [sflag:s30], $0xC38  }
0x67: {  	s8 =	rddreg [dreg:$0x7]  }
0x68: {  	[sflag:s30] =	ssyncset.done $0x0;
	s9 =	rddreg [dreg:$0x13];
	s1 =	sadd.s32 s8, s1  }
0x69: {  	[sflag:s30] =	ssyncadd.s32 $0xFFFFF3C8;
	s5 =	sadd.s32 s9, s1  }
0x6a: {  	[hbm4b:s5+s4] =	stream.linear.scatter [tilespmem:s0], [sflag:$0xB], $0xC38, $0x38;
	[tilespmem:$0x1FDC0] =	vst v63  }
0x6b: {  	_ =	swait.ge [sflag:s30], $0xC38  }
0x6c: {  	[sflag:s30] =	ssyncset.done $0x0  }
0x6d: {  	s11 =	rddreg [dreg:$0xc];
	[sflag:s30] =	ssyncadd.s32 $0xFFFFF3C8  }
0x6e: {  	[tilespmem:s0], [sflag:$0xB] =	stream.linear.gather [spmem:s11], $0xC38, $0x38;
	[tilespmem:$0x1FDC0] =	vst v63  }
0x6f: {  	_ =	swait.ge [sflag:s30], $0xC38  }
0x70: {  	[sflag:s30] =	ssyncset.done $0x0;
	s12 =	rddreg [dreg:$0x9]  }
0x71: {  	[sflag:s30] =	ssyncadd.s32 $0xFFFFF3C8;
	s5 =	sadd.s32 s12, s1  }
0x72: {  	[hbm4b:s5+s4] =	stream.linear.scatter [tilespmem:s0], [sflag:$0xB], $0xC38, $0x38;
	[tilespmem:$0x1FDC0] =	vst v63  }
0x73: {  	_ =	swait.ge [sflag:s30], $0xC38  }
0x74: {  	[sflag:s30] =	ssyncset.done $0x0  }
0x75: {  	s15 =	rddreg [dreg:$0x10];
	[sflag:s30] =	ssyncadd.s32 $0xFFFFF3C8  }
0x76: {  	[tilespmem:s0], [sflag:$0xB] =	stream.linear.gather [spmem:s15], $0xC38, $0x38;
	[tilespmem:$0x1FDC0] =	vst v63  }
0x77: {  	_ =	swait.ge [sflag:s30], $0xC38  }
0x78: {  	[sflag:s30] =	ssyncset.done $0x0;
	s16 =	rddreg [dreg:$0xd]  }
0x79: {  	[sflag:s30] =	ssyncadd.s32 $0xFFFFF3C8;
	s5 =	sadd.s32 s16, s1  }
0x7a: {  	[hbm4b:s5+s4] =	stream.linear.scatter [tilespmem:s0], [sflag:$0xB], $0xC38, $0x38;
	[tilespmem:$0x1FDC0] =	vst v63  }
0x7b: {  	_ =	swait.ge [sflag:s30], $0xC38  }
0x7c: {  	[sflag:s30] =	ssyncset.done $0x0  }
0x7d: {  	s17 =	rddreg [dreg:$0x11];
	[sflag:s30] =	ssyncadd.s32 $0xFFFFF3C8  }
0x7e: {  	[tilespmem:s0], [sflag:$0xB] =	stream.linear.gather [spmem:s17], $0xC38, $0x38;
	[tilespmem:$0x1FDC0] =	vst v63  }
0x7f: {  	_ =	swait.ge [sflag:s30], $0xC38  }
0x80: {  	[sflag:s30] =	ssyncset.done $0x0;
	s18 =	rddreg [dreg:$0xe]  }
0x81: {  	[sflag:s30] =	ssyncadd.s32 $0xFFFFF3C8;
	s5 =	sadd.s32 s18, s1  }
0x82: {  	[hbm4b:s5+s4] =	stream.linear.scatter [tilespmem:s0], [sflag:$0xB], $0xC38, $0x38;
	[tilespmem:$0x1FDC0] =	vst v63  }
0x83: {  	_ =	swait.ge [sflag:s30], $0xC38  }
0x84: {  	[sflag:s30] =	ssyncset.done $0x0  }
0x85: {  	s19 =	rddreg [dreg:$0x12];
	[sflag:s30] =	ssyncadd.s32 $0xFFFFF3C8  }
0x86: {  	[tilespmem:s0], [sflag:$0xB] =	stream.linear.gather [spmem:s19], $0xC38, $0x38;
	[tilespmem:$0x1FDC0] =	vst v63  }
0x87: {  	_ =	swait.ge [sflag:s30], $0xC38  }
0x88: {  	[sflag:s30] =	ssyncset.done $0x0;
	s20 =	rddreg [dreg:$0xf]  }
0x89: {  	[sflag:s30] =	ssyncadd.s32 $0xFFFFF3C8;
	s5 =	sadd.s32 s20, s1  }
0x8a: {  	[hbm4b:s5+s4] =	stream.linear.scatter [tilespmem:s0], [sflag:$0xB], $0xC38, $0x38;
	[tilespmem:$0x1FDC0] =	vst v63  }
0x8b: {  	_ =	swait.ge [sflag:s30], $0xC38  }
0x8c: {  	[sflag:s30] =	ssyncset.done $0x0  }
0x8d: {  	[sflag:s30] =	ssyncadd.s32 $0xFFFFF3C8  }
0x8e: {  	[tilespmem:s0], [sflag:$0xB] =	stream.linear.gather [spmem:s25], $0xC38, $0x38;
	[tilespmem:$0x1FDC0] =	vst v63  }
0x8f: {  	_ =	swait.ge [sflag:s30], $0xC38  }
0x90: {  	[sflag:s30] =	ssyncset.done $0x0  }
0x91: {  	s21 =	sadd.s32 s23, s1;
	[sflag:s30] =	ssyncadd.s32 $0xFFFFF3C8  }
0x92: {  	[hbm4b:s21+s4] =	stream.linear.scatter [tilespmem:s0], [sflag:$0xB], $0xC38, $0x38;
	[tilespmem:$0x1FDC0] =	vst v63  }
0x93: {  	_ =	swait.ge [sflag:s30], $0xC38  }
0x94: {  	[sflag:s30] =	ssyncset.done $0x0  }
0x95: {  	[sflag:s30] =	ssyncadd.s32 $0xFFFFF3C8  }
0x96: {  	[tilespmem:s0], [sflag:$0xB] =	stream.linear.gather [spmem:s26], $0xC38, $0x38;
	[tilespmem:$0x1FDC0] =	vst v63  }
0x97: {  	_ =	swait.ge [sflag:s30], $0xC38  }
0x98: {  	[sflag:s30] =	ssyncset.done $0x0  }
0x99: {  	s29 =	sadd.s32 s24, s1;
	[sflag:s30] =	ssyncadd.s32 $0xFFFFF3C8  }
0x9a: {  	[hbm4b:s29+s4] =	stream.linear.scatter [tilespmem:s0], [sflag:$0xB], $0xC38, $0x38;
	[tilespmem:$0x1FDC0] =	vst v63  }
0x9b: {  	_ =	swait.ge [sflag:s30], $0xC38  }
0x9c: {  	[sflag:s30] =	ssyncset.done $0x0  }
0x9d: {  	[sflag:s30] =	ssyncadd.s32 $0xFFFFF3C8  }
0x9e: {  	[tilespmem:s0], [sflag:$0xB] =	stream.linear.gather [spmem:s28], $0xC38, $0x38;
	[tilespmem:$0x1FDC0] =	vst v63  }
0x9f: {  	_ =	swait.ge [sflag:s30], $0xC38  }
0xa0: {  	[sflag:s30] =	ssyncset.done $0x0  }
.Ltmp1:
0xa1: {  	s1 =	sadd.s32 s22, s1;
	[sflag:s30] =	ssyncadd.s32 $0xFFFFF3C8;
	(pc) =	sbr.rel @p0 .LBB2_2-.Ltmp1, $4  }
0xa2: {  	[hbm4b:s1+s4] =	stream.linear.scatter [tilespmem:s0], [sflag:$0xB], $0xC38, $0x38;
	[tilespmem:$0x1FDC0] =	vst v63  }
0xa3: {  	_ =	swait.ge [sflag:s30], $0xC38  }
0xa4: {  	[sflag:s30] =	ssyncset.done $0x0  }
0xa5: {  	p4 =	por $0x0, $0x0;
	s1 =	simm.s32 $0x1;
	[sflag:s30] =	ssyncadd.s32 $0xFFFFF3C8  }
0xa6: {  	s5 =	rddreg [dreg:$0x14]  }
0xa7: {  	s1 =	rddreg [dreg:$0xb];
	s5 =	sadd.s32 $0x1, s5  }
0xa8: {  	p0 =	sne.s32 s5, s1  }
.Ltmp2:
0xa9: {  	_ = 	snop;
	(pc) =	sbr.rel @p0 .LBB2_1-.Ltmp2, $1  }
0xaa: {  	_ =	sdelay $0x3  }
0xab: {  	_ =	sfence.sel $0x180000  }
0xac: {  	[bflag:$0x0] =	sbarrier.arrive $0xFFFF  }
0xad: {  	_ =	strace $0x9000004A  }
0xae: {  	s0 =	stileid.u32;
	[bflag:$0x2] =	sbarrier.arrive $0xFFFF  }
0xaf: {  	p0 =	sne.s32 s0, $0x0;
	s0 =	rddreg [dreg:$0x3]  }
0xb0: {  	s0 =	sadd.s32 @!p0 $0x100000, s0  }
0xb1: {  	[sflag:s0] =	ssyncadd.tile.s32 @!p0 $0x1;
	_ =	shalt  }
.Lfunc_end2:
_tile_overlayer_lowered:
.L_overlay_start_2:
0xb2: {  	(tag) =	ssettag $0x2  }
0xb3: {  	s0 =	rddreg [dreg:$0x0];
	s2 =	stileid.u32  }
0xb4: {  	s1 =	rddreg [dreg:$0x1];
	p0 =	sne.s32 s2, $0x0  }
0xb5: {  	s3 =	rddreg [dreg:$0x2];
	[bflag:$0x3] =	sbarrier.arrive $0xFFFF;
	s2 =	simm.s32 @!p0 $0x1C0B  }
0xb6: {  	[timem:s3], [sflag:s2] =	dma.local @!p0 [hbm:s0], s1  }
0xb7: {  	s0 =	simm.s32 @!p0 $0xB  }
0xb8: {  	_ =	swait.ge @!p0 [sflag:s0], s1  }
0xb9: {  	s1 =	ssub.s32 @!p0 $0x0, s1;
	[sflag:s0] =	ssyncset.done @!p0 $0x0  }
0xba: {  	[sflag:s0] =	ssyncadd.s32 @!p0 s1  }
0xbb: {  	[bflag:$0x3] =	sbarrier.arrive $0xFFFF  }
0xbc: {  	_ =	shalt  }

// kernel: kernel.5.cloned.1.call-start
scs
__scs_entry_jumppad:
0x0: {  	(pc) =	sbr.rel $0x88, $3  }
0x1: {  	(tag) =	ssettag $0x0;
	lr =	simm.s32 $0x1  }
0x2: {  	[smem:$0x3F8F] =	sst lr;
	_ =	strace $0xD0000000  }
0x3: {  	_ = 	snop  }
0x4: {  	_ = 	snop  }
0x5: {  	_ = 	snop  }
0x6: {  	_ = 	snop  }
0x7: {  	_ = 	snop  }
__scs_overlays_trampoline_lowered:
0x8: {  	[smem:$0x3F9E] =	sst s0  }
0x9: {  	[smem:$0x3F9F] =	sst s1  }
0xa: {  	[smem:$0x3FA0] =	sst s2  }
0xb: {  	[smem:$0x3FA1] =	sst s3  }
0xc: {  	[smem:$0x3FA2] =	sst s4  }
0xd: {  	[smem:$0x3FA3] =	sst s5  }
0xe: {  	[smem:$0x3FA4] =	sst s6  }
0xf: {  	[smem:$0x3FA5] =	sst s7  }
0x10: {  	[smem:$0x3FA6] =	sst s8  }
0x11: {  	[smem:$0x3FA7] =	sst s9;
	s0 =	simm.s32 @!p0 $0x0  }
0x12: {  	s1 =	sld [smem:$0x3F8D];
	s0 =	simm.s32 @p0 $0x1  }
0x13: {  	[smem:$0x3FA8] =	sst s0;
	s0 =	simm.s32 @!p1 $0x0  }
0x14: {  	s2 =	sld [smem:$0x3F8C];
	s0 =	simm.s32 @p1 $0x1  }
0x15: {  	[smem:$0x3FA9] =	sst s0;
	s0 =	simm.s32 @!p2 $0x0  }
0x16: {  	s3 =	sld [smem:$0x3FDB];
	s0 =	simm.s32 @p2 $0x1  }
0x17: {  	s4 =	simm.s32 $0x1BF5;
	[smem:$0x3FAB] =	sst s0  }
0x18: {  	s0 =	sld [smem:$0x3F8E];
	_ =	swait.ge [sflag:s4], $0x0  }
0x19: {  	s7 =	sld [smem:$0x3F8F]  }
0x1a: {  	s8 =	sadd.s32 $0xFFFFE003, lr  }
0x1b: {  	s9 =	sadd.s32 $0xFFFFFEF7, lr;
	s5 =	simm.s32 $0xFFFFFFFF;
	p2 =	slt.u32 s8, $0xFFFFF086  }
0x1c: {  	p1 =	slt.u32 s9, $0xF7A;
	s5 =	simm.s32 @!p2 $0x0  }
0x1d: {  	s5 =	simm.s32 @p1 $0x1;
	p0 =	seq.s32 s7, s2  }
0x1e: {  	s7 =	smul.u32 @!p0 $0xF7A, s2;
	p2 =	seq.s32 @!p0 s5, $0x0  }
0x1f: {  	s9 =	smul.u32 $0xF7A, s1;
	s8 =	simm.s32 @!p0 $0x1BF5;
	p2 =	por !p2, p0  }
0x20: {  	[sflag:s8] =	ssyncset.s32 @!p0 $0xFFFFF086;
	s6 =	sadd.s32 @!p0 s3, s7;
	s7 =	simm.s32 @!p0 $0x108  }
0x21: {  	s3 =	sadd.s32 s3, s9;
	s6 =	sadd.s32 @!p0 $0x88, s6;
	s7 =	simm.s32 @p2 $0x1082  }
0x22: {  	[simem:s7], [sflag:s8] =	dma.local @!p0 [hbm:s6], $0xF7A  }
0x23: {  	s9 =	sor.u32 $0xD0000000, s2;
	s6 =	simm.s32 $0x108;
	_ =	swait.ge @!p0 [sflag:s8], $0x0  }
0x24: {  	s3 =	sadd.s32 $0x88, s3;
	s6 =	simm.s32 @!p1 $0x1082;
	[sflag:s4] =	ssyncset.s32 $0xFFFFF086  }
0x25: {  	[simem:s6], [sflag:s4] =	dma.local [hbm:s3], $0xF7A  }
0x26: {  	[smem:$0x3F8F] =	sst s1;
	(tag) =	ssettag s2;
	_ =	strace s9  }
0x27: {  	s1 =	sld [smem:$0x3F9F]  }
0x28: {  	s2 =	sld [smem:$0x3FA0]  }
0x29: {  	s4 =	sld [smem:$0x3FA2]  }
0x2a: {  	p0 =	seq.s32 s5, $0x0;
	s5 =	sld [smem:$0x3FA3]  }
0x2b: {  	s6 =	sld [smem:$0x3FA4]  }
0x2c: {  	s7 =	sld [smem:$0x3FA5]  }
0x2d: {  	s3 =	simm.s32 $0x108;
	s8 =	sld [smem:$0x3FA6]  }
0x2e: {  	s3 =	simm.s32 @!p0 $0x1082;
	s9 =	sld [smem:$0x3FA7]  }
0x2f: {  	lr =	sadd.s32 s0, s3;
	s0 =	sld [smem:$0x3F9E]  }
0x30: {  	s3 =	sld [smem:$0x3FA1]  }
0x31: {  	[smem:$0x3FAA] =	sst s10  }
0x32: {  	s10 =	sld [smem:$0x3FA8];
	_ =	sdelay $0x3  }
0x33: {  	p0 =	seq.s32 s10, $0x1;
	s10 =	sld [smem:$0x3FAA];
	_ =	sdelay $0x3  }
0x34: {  	[smem:$0x3FAA] =	sst s10  }
0x35: {  	s10 =	sld [smem:$0x3FA9];
	_ =	sdelay $0x3  }
0x36: {  	p1 =	seq.s32 s10, $0x1;
	s10 =	sld [smem:$0x3FAA];
	_ =	sdelay $0x3  }
0x37: {  	[smem:$0x3FAA] =	sst s10  }
0x38: {  	s10 =	sld [smem:$0x3FAB]  }
0x39: {  	_ = 	snop;
	(pc) =	sbr.ind lr, $3  }
0x3a: {  	_ = 	snop  }
0x3b: {  	_ = 	snop  }
0x3c: {  	p2 =	seq.s32 s10, $0x1;
	s10 =	sld [smem:$0x3FAA]  }
0x3d: {  	_ =	shalt  }
0x3e: {  	_ =	shalt  }
0x3f: {  	_ =	shalt  }
0x40: {  	_ =	shalt  }
0x41: {  	_ =	shalt  }
0x42: {  	_ =	shalt  }
0x43: {  	_ =	shalt  }
0x44: {  	_ =	shalt  }
0x45: {  	_ =	shalt  }
0x46: {  	_ =	shalt  }
0x47: {  	_ =	shalt  }
0x48: {  	_ =	shalt  }
0x49: {  	_ =	shalt  }
0x4a: {  	_ =	shalt  }
0x4b: {  	_ =	shalt  }
0x4c: {  	_ =	shalt  }
0x4d: {  	_ =	shalt  }
0x4e: {  	_ =	shalt  }
0x4f: {  	_ =	shalt  }
0x50: {  	_ =	shalt  }
0x51: {  	_ =	shalt  }
0x52: {  	_ =	shalt  }
0x53: {  	_ =	shalt  }
0x54: {  	_ =	shalt  }
0x55: {  	_ =	shalt  }
0x56: {  	_ =	shalt  }
0x57: {  	_ =	shalt  }
0x58: {  	_ =	shalt  }
0x59: {  	_ =	shalt  }
0x5a: {  	_ =	shalt  }
0x5b: {  	_ =	shalt  }
0x5c: {  	_ =	shalt  }
0x5d: {  	_ =	shalt  }
0x5e: {  	_ =	shalt  }
0x5f: {  	_ =	shalt  }
0x60: {  	_ =	shalt  }
0x61: {  	_ =	shalt  }
0x62: {  	_ =	shalt  }
0x63: {  	_ =	shalt  }
0x64: {  	_ =	shalt  }
0x65: {  	_ =	shalt  }
0x66: {  	_ =	shalt  }
0x67: {  	_ =	shalt  }
0x68: {  	_ =	shalt  }
0x69: {  	_ =	shalt  }
0x6a: {  	_ =	shalt  }
0x6b: {  	_ =	shalt  }
0x6c: {  	_ =	shalt  }
0x6d: {  	_ =	shalt  }
0x6e: {  	_ =	shalt  }
0x6f: {  	_ =	shalt  }
0x70: {  	_ =	shalt  }
0x71: {  	_ =	shalt  }
0x72: {  	_ =	shalt  }
0x73: {  	_ =	shalt  }
0x74: {  	_ =	shalt  }
0x75: {  	_ =	shalt  }
0x76: {  	_ =	shalt  }
0x77: {  	_ =	shalt  }
0x78: {  	_ =	shalt  }
0x79: {  	_ =	shalt  }
0x7a: {  	_ =	shalt  }
0x7b: {  	_ =	shalt  }
0x7c: {  	_ =	shalt  }
0x7d: {  	_ =	shalt  }
0x7e: {  	_ =	shalt  }
0x7f: {  	_ =	shalt  }
0x80: {  	_ =	shalt  }
0x81: {  	_ =	shalt  }
0x82: {  	_ =	shalt  }
0x83: {  	_ =	shalt  }
0x84: {  	_ =	shalt  }
0x85: {  	_ =	shalt  }
0x86: {  	_ =	shalt  }
0x87: {  	_ =	shalt  }
.Lfunc_end0:
.L_simem_size_0:
called_computation.1_lowered:
.L_overlay_start_0:
0x88: {  	s2 =	sld [smem:$0x3FD9]  }
0x89: {  	s3 =	sld [smem:$0x3FFE];
	_ =	sdelay $0x1  }
0x8a: {  	s1 =	srdreg.scid  }
0x8b: {  	s0 =	sand.u32 $0x1, s1  }
0x8c: {  	s17 =	sshll.u32 s0, $0xA;
	s2 =	sadd.s32 s3, s2  }
0x8d: {  	s2 =	sadd.s32 s2, s17  }
0x8e: {  	[smem:$0x3FB6] =	sst s2  }
0x8f: {  	_ = 	snop  }
0x90: {  	s2 =	sld [smem:$0x3FD0];
	(tm) =	ssettm $0x1  }
0x91: {  	s18 =	sld [smem:$0x3FFB];
	_ =	sdelay $0x3  }
0x92: {  	_ =	strace s18  }
0x93: {  	s3 =	sld [smem:$0x3FFC];
	_ =	sdelay $0x3  }
0x94: {  	_ =	strace s3  }
0x95: {  	s3 =	sld [smem:$0x3FFD];
	_ =	sdelay $0x3  }
0x96: {  	_ =	strace s3  }
0x97: {  	_ =	strace $0x8FFFFFFF  }
0x98: {  	s19 =	sld [smem:$0x3FDB];
	_ =	sdelay $0x1  }
0x99: {  	s4 =	simm.s32 $_scs_section_size  }
0x9a: {  	s5 =	simm.s32 $_size__tile_overlayer_lowered;
	s6 =	simm.s32 $_tile_overlayer_lowered  }
0x9b: {  	s22 =	simm.s32 $0x1BFF;
	s21 =	sshll.u32 s6, $0x1;
	s3 =	sadd.s32 s4, s19  }
0x9c: {  	s7 =	simm.s32 $0x0;
	s20 =	sshll.u32 s5, $0x1;
	s5 =	sadd.s32 s21, s3  }
0x9d: {  	[timem:s7], [sflag:s22] =	dma.local [hbm:s5], s20  }
0x9e: {  	_ =	swait.ge [sflag:s22], s20  }
0x9f: {  	s4 =	ssub.s32 $0x0, s20;
	[sflag:s22] =	ssyncset.done $0x0  }
0xa0: {  	[sflag:s22] =	ssyncadd.s32 s4;
	_ =	sdelay $0x1  }
0xa1: {  	s23 =	simm.s32 $0x1B8B  }
0xa2: {  	_ =	swait.ge [sflag:s23], $0x1  }
0xa3: {  	[sflag:s23] =	ssyncset.done $0x0  }
0xa4: {  	s25 =	simm.s32 $0x1B8E;
	s24 =	sld [smem:$0x3FFE];
	[sflag:s23] =	ssyncadd.s32 $0xFFFFFFFF  }
0xa5: {  	s26 =	simm.s32 $execute0_lowered;
	[smem:$0x3FD2] =	sst s25  }
0xa6: {  	s5 =	sshll.u32 s26, $0x1;
	_ =	strace $0x80000046;
	[dreg:$0x1] =	wrdreg $0xFFFFFFFF  }
0xa7: {  	s28 =	simm.s32 $_size_execute0_lowered;
	s3 =	sadd.s32 s3, s5;
	[dreg:$0x0] =	wrdreg $0x0  }
0xa8: {  	s5 =	sshll.u32 s28, $0x1;
	[dreg:$0x2] =	wrdreg s3  }
0xa9: {  	[dreg:$0x3] =	wrdreg s5  }
0xaa: {  	[dreg:$0x4] =	wrdreg $0xC0  }
0xab: {  	_ =	task [dreg:s7], $0x5FFFF  }
0xac: {  	[dreg:$0x1] =	wrdreg $0xFFFFFFFF  }
0xad: {  	[dreg:$0x0] =	wrdreg $0x60  }
0xae: {  	[dreg:$0x2] =	wrdreg s24  }
0xaf: {  	[dreg:$0x3] =	wrdreg s2  }
0xb0: {  	[dreg:$0x4] =	wrdreg $0x6F000  }
0xb1: {  	[dreg:$0x5] =	wrdreg $0x9  }
0xb2: {  	_ =	task.clear_ibuf [dreg:s7], $0x6FFFF;
	_ =	strace $0x90000046  }
0xb3: {  	s29 =	simm.s32 $0x9;
	_ =	strace $0x80000048  }
0xb4: {  	_ =	swait.ge [sflag:s29], $0x1  }
0xb5: {  	[sflag:s29] =	ssyncadd.s32 $0xFFFFFFFF  }
0xb6: {  	_ =	strace $0x90000048  }
0xb7: {  	_ =	sfence  }
0xb8: {  	s30 =	sld [smem:$0x0];
	_ =	sdelay $0x2  }
0xb9: {  	s31 =	sshll.u32 s1, $0xD;
	s1 =	sshrl.u32 s1, $0x2  }
0xba: {  	s3 =	sand.u32 $0x4000, s31;
	s1 =	sadd.s32 s1, s30  }
0xbb: {  	s0 =	sor.u32 s3, s0;
	s1 =	sshll.u32 s1, $0x11  }
0xbc: {  	s0 =	sor.u32 s1, s0  }
0xbd: {  	s0 =	sadd.s32 $0x8F2B, s0  }
0xbe: {  	[sflag:s0] =	ssyncadd.remote.s32 $0x1  }
0xbf: {  	_ =	sfence.sel $0xFFFF  }
0xc0: {  	[dreg:$0x0] =	wrdreg $0xFFFFFFFF;
	(pc) =	sbr.abs _section_cstart, $3  }
0xc1: {  	[dreg:$0x1] =	wrdreg $0xFFFFFFFF  }
0xc2: {  	_ =	task.clear_ibuf [dreg:s7], $0x2FFFF;
	_ =	strace $0x9FFFFFFF  }
0xc3: {  	(tm) =	ssettm $0x7FFFFFFF  }
tec
execute0_lowered:
.L_overlay_start_1:
0x0: {  	(tag) =	ssettag $0x1  }
0x1: {  	s4 =	rddreg [dreg:$0x0]  }
0x2: {  	s6 =	rddreg [dreg:$0x1];
	s0 =	srdreg.scid  }
0x3: {  	s2 =	rddreg [dreg:$0x2];
	s1 =	stileid.u32;
	s3 =	simm.s32 $0x0  }
0x4: {  	s11 =	simm.s32 $0x6200;
	s12 =	simm.s32 $0x0;
	s5 =	sand.u32 $0x1, s0  }
0x5: {  	s0 =	rddreg [dreg:$0x3];
	s8 =	smul.u32 $0xC80, s1;
	s7 =	sshll.u32 s5, $0x4  }
0x6: {  	s9 =	smul.u32 $0xC800, s5;
	s5 =	ssub.s32 $0x2, s5;
	s7 =	sor.u32 s1, s7  }
0x7: {  	[smem:$0x7FF] =	sst s3;
	s10 =	sshrl.u32 s5, $0x1;
	s7 =	smul.u32 $0xC40, s7  }
0x8: {  	_ =	strace $0x80000047;
	s9 =	sadd.s32 s8, s9;
	s10 =	ssub.s32 s5, s10  }
0x9: {  	s9 =	sshrl.u32 s9, $0x3;
	s7 =	sadd.s32 s7, s4;
	s4 =	sadd.s32 s8, s2  }
0xa: {  	s6 =	sadd.s32 s6, s9;
	s8 =	simm.s32 $0x6280;
	s9 =	simm.s32 $0x1  }
0xb: {  	v0 =	vimm.f32 $1.000000000e+00;
	v1 =	vimm.f32 $0.0e+00;
	s5 =	sadd.s32 $0x4C00, s7;
	s7 =	smax.u32 s10, $0x1;
	s10 =	simm.s32 $0x80  }
.LBB2_1:
0xc: {  	[tilespmem:$0x6200] =	vst v0  }
0xd: {  	[tilespmem:$0x6210] =	vst v0  }
0xe: {  	[tilespmem:$0x6220] =	vst v0  }
0xf: {  	[tilespmem:$0x6230] =	vst v0  }
0x10: {  	[tilespmem:$0x6240] =	vst v0  }
0x11: {  	[tilespmem:$0x6250] =	vst v0  }
0x12: {  	[tilespmem:$0x6260] =	vst v0  }
0x13: {  	[tilespmem:$0x6270] =	vst v0;
	s13 =	simm.s32 $0x40;
	s14 =	simm.s32 $0x0  }
.LBB2_2:
0x14: {  	p0 =	sne.s32 s13, $0x31C0;
	[tilespmem:s14+$0x6280] =	vst v1;
	s14 =	smov.u32 s13;
	s13 =	sadd.s32 $0x40, s13  }
.Ltmp0:
0x15: {  	(pc) =	sbr.rel @p0 .LBB2_2-.Ltmp0, $2  }
0x16: {  	_ =	sdelay $0x2  }
0x17: {  	s14 =	sshra.s32 s14, $0x2  }
0x18: {  	[tilespmem:s14+$0x6280] =	vst v1  }
0x19: {  	[spmem:s4] =	stream.linear.scatter [tilespmem:s8], [sflag:$0x1], $0xC80, $0x38;
	[tilespmem:$0x7B80] =	vst v63  }
0x1a: {  	_ =	swait.ge [sflag:s9], $0xC80  }
0x1b: {  	[sflag:s9] =	ssyncset.done $0x0  }
0x1c: {  	s13 =	simm.s32 $0x0;
	[sflag:s9] =	ssyncadd.s32 $0xFFFFF380  }
0x1d: {  	[tilespmem:s13], [sflag:$0x1] =	stream.linear.gather [hbm4b:s5+s13], $0x6200, $0x38;
	[tilespmem:$0x7B80] =	vst v63  }
0x1e: {  	_ =	swait.ge [sflag:s9], $0x6200  }
0x1f: {  	[sflag:s9] =	ssyncset.done $0x0  }
0x20: {  	[sflag:s9] =	ssyncadd.s32 $0xFFFF9E00  }
0x21: {  	s31 =	simm.s32 $0x0;
	[bflag:$0x0] =	sbarrier.arrive $0xFFFF  }
0x22: {  	[spmem:s2] =	stream.indirect.scatter.add.f32 [tilespmem:s11], [sflag:$0x1], $0x1, s31, s10, $0xb8;
	[tilespmem:$0x7B80] =	vst v63  }
0x23: {  	_ =	swait.ge [sflag:s9], $0x80  }
0x24: {  	s13 =	simm.s32 $0x200;
	[sflag:s9] =	ssyncset.done $0x0  }
.LBB2_4:
0x25: {  	s14 =	sshra.s32 s13, $0x2;
	[sflag:s9] =	ssyncadd.s32 $0xFFFFFF80;
	p0 =	sne.s32 s13, $0x18600  }
0x26: {  	[spmem:s2] =	stream.indirect.scatter.add.f32 [tilespmem:s11], [sflag:$0x1], $0x1, s14, s10, $0xb8;
	[tilespmem:$0x7B80] =	vst v63  }
.Ltmp1:
0x27: {  	_ = 	snop;
	(pc) =	sbr.rel @p0 .LBB2_4-.Ltmp1, $4  }
0x28: {  	_ = 	snop  }
0x29: {  	s13 =	sadd.s32 $0x200, s13  }
0x2a: {  	_ =	swait.ge [sflag:s9], $0x80  }
0x2b: {  	[sflag:s9] =	ssyncset.done $0x0  }
0x2c: {  	[sflag:s9] =	ssyncadd.s32 $0xFFFFFF80  }
0x2d: {  	[bflag:$0x0] =	sbarrier.arrive $0xFFFF  }
0x2e: {  	[tilespmem:s8], [sflag:$0x1] =	stream.linear.gather [spmem:s4], $0xC80, $0x38;
	[tilespmem:$0x7B80] =	vst v63  }
0x2f: {  	s12 =	sadd.s32 $0x1, s12;
	_ =	swait.ge [sflag:s9], $0xC80  }
0x30: {  	p0 =	sne.s32 s12, s7;
	[sflag:s9] =	ssyncset.done $0x0  }
.Ltmp2:
0x31: {  	[sflag:s9] =	ssyncadd.s32 $0xFFFFF380;
	(pc) =	sbr.rel @p0 .LBB2_1-.Ltmp2, $4  }
0x32: {  	[hbm4b:s6+s3] =	stream.linear.scatter [tilespmem:s8], [sflag:$0x1], $0xC80, $0x38;
	[tilespmem:$0x7B80] =	vst v63  }
0x33: {  	_ =	swait.ge [sflag:s9], $0xC80  }
0x34: {  	[sflag:s9] =	ssyncset.done $0x0  }
0x35: {  	[sflag:s9] =	ssyncadd.s32 $0xFFFFF380  }
0x36: {  	_ =	sfence.sel $0x180000  }
0x37: {  	[bflag:$0x0] =	sbarrier.arrive $0xFFFF  }
0x38: {  	p0 =	sne.s32 s1, $0x0;
	_ =	strace $0x90000047  }
0x39: {  	s0 =	sadd.s32 @!p0 $0x100000, s0;
	[bflag:$0x2] =	sbarrier.arrive $0xFFFF  }
0x3a: {  	[sflag:s0] =	ssyncadd.tile.s32 @!p0 $0x1;
	_ =	shalt  }
.Lfunc_end2:
_tile_overlayer_lowered:
.L_overlay_start_2:
0x3b: {  	(tag) =	ssettag $0x2  }
0x3c: {  	s0 =	rddreg [dreg:$0x0];
	s2 =	stileid.u32  }
0x3d: {  	s1 =	rddreg [dreg:$0x1];
	p0 =	sne.s32 s2, $0x0  }
0x3e: {  	s3 =	rddreg [dreg:$0x2];
	[bflag:$0x3] =	sbarrier.arrive $0xFFFF;
	s2 =	simm.s32 @!p0 $0x1C01  }
0x3f: {  	[timem:s3], [sflag:s2] =	dma.local @!p0 [hbm:s0], s1  }
0x40: {  	s0 =	simm.s32 @!p0 $0x1  }
0x41: {  	_ =	swait.ge @!p0 [sflag:s0], s1  }
0x42: {  	s1 =	ssub.s32 @!p0 $0x0, s1;
	[sflag:s0] =	ssyncset.done @!p0 $0x0  }
0x43: {  	[sflag:s0] =	ssyncadd.s32 @!p0 s1  }
0x44: {  	[bflag:$0x3] =	sbarrier.arrive $0xFFFF  }
0x45: {  	_ =	shalt  }

</sc_bundles>
